<compile_context>
chip_gen: v7x
topology: tpu7x:2x2x1
jax: 0.10.2.dev20260603
libtpu: 0.0.44.dev20260713+nightly
codegen_flags: <defaults>
</compile_context>

<pallas_src>
import functools

import jax
import jax.numpy as jnp
from jax import lax
from jax.experimental import pallas as pl
from jax.experimental.pallas import tpu as pltpu
from jax.experimental.pallas import tpu_sc as plsc

N = 10000
E = 320000
D = 128
NC = 2
NS = 16
EPT = E // (NC * NS)
CHUNK = 80
ITERS = EPT // CHUNK
NPAD = 10240
RPT = NPAD // NS
_INV_S = 1.0 / (1.0 + 1e-5) ** 0.5

_mesh = plsc.VectorSubcoreMesh(core_axis_name="c", subcore_axis_name="s")



@functools.partial(
    pl.kernel,
    mesh=_mesh,
    out_type=jax.ShapeDtypeStruct((NC, NPAD, D), jnp.float32),
    scratch_types=[
        pltpu.VMEM_SHARED((NPAD, D), jnp.float32),
        pltpu.VMEM((ITERS, CHUNK), jnp.int32),
        pltpu.VMEM((CHUNK, D), jnp.float32),
        pltpu.SemaphoreType.DMA,
        pltpu.SemaphoreType.DMA,
    ],
)
def _deg_kernel(dst_hbm, zeros_hbm, ones_hbm, degp_hbm, zdeg, dst_v, ones_v,
                sem_a, sem_b):
    c = lax.axis_index("c")
    s = lax.axis_index("s")
    row0 = s * RPT
    wid = c * NS + s
    pltpu.async_copy(dst_hbm.at[wid], dst_v, sem_a)
    pltpu.async_copy(zeros_hbm.at[pl.ds(row0, RPT), :],
                     zdeg.at[pl.ds(row0, RPT), :], sem_b)
    pltpu.sync_copy(ones_hbm, ones_v)
    pltpu.make_async_copy(dst_hbm.at[wid], dst_v, sem_a).wait()
    pltpu.make_async_copy(zeros_hbm.at[pl.ds(row0, RPT), :],
                          zdeg.at[pl.ds(row0, RPT), :], sem_b).wait()
    plsc.subcore_barrier()

    pltpu.async_copy(ones_v, zdeg.at[dst_v.at[0]], sem_a, add=True)

    def body(j, carry):
        k = 2 * j
        pltpu.async_copy(ones_v, zdeg.at[dst_v.at[k + 1]], sem_b, add=True)
        pltpu.make_async_copy(ones_v, zdeg.at[dst_v.at[k]], sem_a).wait()

        @pl.when(k + 2 < ITERS)
        def _():
            pltpu.async_copy(ones_v, zdeg.at[dst_v.at[k + 2]], sem_a, add=True)

        pltpu.make_async_copy(ones_v, zdeg.at[dst_v.at[k + 1]], sem_b).wait()
        return carry

    lax.fori_loop(0, (ITERS - 1) // 2, body, 0)
    pltpu.make_async_copy(ones_v, zdeg.at[dst_v.at[ITERS - 1]], sem_a).wait()
    plsc.subcore_barrier()
    pltpu.sync_copy(zdeg.at[pl.ds(row0, RPT), :],
                    degp_hbm.at[c, pl.ds(row0, RPT), :])


@functools.partial(
    pl.kernel,
    mesh=_mesh,
    out_type=jax.ShapeDtypeStruct((NC, NPAD, D), jnp.float32),
    scratch_types=[
        pltpu.VMEM_SHARED((NPAD, D), jnp.float32),
        pltpu.VMEM((ITERS, CHUNK), jnp.int32),
        pltpu.VMEM((CHUNK,), jnp.int32),
        pltpu.VMEM((CHUNK,), jnp.int32),
        pltpu.VMEM((CHUNK, D), jnp.float32),
        pltpu.VMEM((CHUNK, D), jnp.float32),
        pltpu.SemaphoreType.DMA,
        pltpu.SemaphoreType.DMA,
        pltpu.SemaphoreType.DMA,
        pltpu.SemaphoreType.DMA,
        pltpu.SemaphoreType.DMA,
        pltpu.SemaphoreType.DMA,
    ],
)
def _agg_kernel(y_hbm, src_hbm, dst_hbm, zeros_hbm, zp_hbm,
                z, dst_v, sb_a, sb_b, rows_a, rows_b,
                ssem_a, ssem_b, gsem_a, gsem_b, scsem_a, scsem_b):
    c = lax.axis_index("c")
    s = lax.axis_index("s")
    row0 = s * RPT
    wid = c * NS + s
    pltpu.async_copy(dst_hbm.at[wid], dst_v, gsem_a)
    pltpu.async_copy(zeros_hbm.at[pl.ds(row0, RPT), :],
                     z.at[pl.ds(row0, RPT), :], gsem_b)
    pltpu.make_async_copy(dst_hbm.at[wid], dst_v, gsem_a).wait()
    pltpu.make_async_copy(zeros_hbm.at[pl.ds(row0, RPT), :],
                          z.at[pl.ds(row0, RPT), :], gsem_b).wait()
    plsc.subcore_barrier()

    pltpu.sync_copy(src_hbm.at[wid, 0], sb_a)
    pltpu.async_copy(y_hbm.at[sb_a], rows_a, gsem_a)
    pltpu.async_copy(src_hbm.at[wid, 1], sb_b, ssem_b)

    def phase(k, sb_p, ssem_p, rows_p, gsem_p, scsem_p,
              sb_q, ssem_q, rows_q, gsem_q, scsem_q):
        pltpu.make_async_copy(src_hbm.at[wid, k + 1], sb_q, ssem_q).wait()

        @pl.when(k >= 1)
        def _():
            pltpu.make_async_copy(rows_q, z.at[dst_v.at[k]], scsem_q).wait()

        pltpu.async_copy(y_hbm.at[sb_q], rows_q, gsem_q)
        pltpu.make_async_copy(y_hbm.at[sb_p], rows_p, gsem_p).wait()
        pltpu.async_copy(rows_p, z.at[dst_v.at[k]], scsem_p, add=True)

        @pl.when(k + 2 < ITERS)
        def _():
            pltpu.async_copy(src_hbm.at[wid, k + 2], sb_p, ssem_p)

    def body(j, carry):
        i = 2 * j
        phase(i, sb_a, ssem_a, rows_a, gsem_a, scsem_a,
              sb_b, ssem_b, rows_b, gsem_b, scsem_b)
        phase(i + 1, sb_b, ssem_b, rows_b, gsem_b, scsem_b,
              sb_a, ssem_a, rows_a, gsem_a, scsem_a)
        return carry

    lax.fori_loop(0, (ITERS - 1) // 2, body, 0)
    pltpu.make_async_copy(y_hbm.at[sb_a], rows_a, gsem_a).wait()
    pltpu.sync_copy(rows_a, z.at[dst_v.at[ITERS - 1]], add=True)
    pltpu.make_async_copy(rows_b, z.at[dst_v.at[ITERS - 2]], scsem_b).wait()

    plsc.subcore_barrier()
    pltpu.sync_copy(z.at[pl.ds(row0, RPT), :],
                    zp_hbm.at[c, pl.ds(row0, RPT), :])



def _tc_first_body(degp_ref, x_ref, w_ref, dinv_ref, y_ref):
    dp = degp_ref[...]
    deg = dp[0][0:N, 0:1] + dp[1][0:N, 0:1] + 1.0
    dinv = lax.rsqrt(deg)
    dinv_ref[...] = dinv
    y_ref[...] = dinv * jnp.dot(x_ref[...], w_ref[...],
                                preferred_element_type=jnp.float32)


_tc_first = pl.pallas_call(
    _tc_first_body,
    out_shape=(jax.ShapeDtypeStruct((N, 1), jnp.float32),
               jax.ShapeDtypeStruct((N, D), jnp.float32)),
)


def _tc_mid_body(zp_ref, y_ref, dinv_ref, b_ref, g_ref, be_ref, w_ref, yn_ref):
    zp = zp_ref[...]
    dinv = dinv_ref[...]
    z = zp[0][0:N, :] + zp[1][0:N, :] + y_ref[...]
    t = dinv * z + b_ref[...]
    t = g_ref[...] * (t * _INV_S) + be_ref[...]
    t = jnp.maximum(t, 0.0)
    yn_ref[...] = dinv * jnp.dot(t, w_ref[...],
                                 preferred_element_type=jnp.float32)


_tc_mid = pl.pallas_call(
    _tc_mid_body,
    out_shape=jax.ShapeDtypeStruct((N, D), jnp.float32),
)


def _tc_last_body(zp_ref, y_ref, dinv_ref, b_ref, out_ref):
    zp = zp_ref[...]
    z = zp[0][0:N, :] + zp[1][0:N, :] + y_ref[...]
    out_ref[...] = dinv_ref[...] * z + b_ref[...]


_tc_last = pl.pallas_call(
    _tc_last_body,
    out_shape=jax.ShapeDtypeStruct((N, D), jnp.float32),
)



def kernel(x, edge_index, W1, b1, g1, be1, W2, b2, g2, be2, W3, b3):
    src = edge_index[0]
    dst = edge_index[1]
    src3 = src.reshape(NC * NS, ITERS, CHUNK)
    dst3 = dst.reshape(NC * NS, ITERS, CHUNK)
    del src, dst
    zeros_nd = jnp.zeros((NPAD, D), jnp.float32)
    ones_cd = jnp.ones((CHUNK, D), jnp.float32)

    degp = _deg_kernel(dst3, zeros_nd, ones_cd)
    dinv, y1 = _tc_first(degp, x, W1)

    zp1 = _agg_kernel(y1, src3, dst3, zeros_nd)
    y2 = _tc_mid(zp1, y1, dinv, b1.reshape(1, D), g1.reshape(1, D),
                 be1.reshape(1, D), W2)

    zp2 = _agg_kernel(y2, src3, dst3, zeros_nd)
    y3 = _tc_mid(zp2, y2, dinv, b2.reshape(1, D), g2.reshape(1, D),
                 be2.reshape(1, D), W3)

    zp3 = _agg_kernel(y3, src3, dst3, zeros_nd)
    return _tc_last(zp3, y3, dinv, b3.reshape(1, D))

# --- scband reference (transcript-rebuilt; emitter-appended) ---
"""Pipeline reference for scband-gcn-24481313587812 (READ-ONLY COPY).

The authoritative reference and input builder live on the scoring server;
editing this copy changes nothing except your own understanding.
"""

import jax, jax.numpy as jnp
import numpy as np

N = 10000
E = 320000
D_IN = 128
D_HID = 128
D_OUT = 128


def setup_inputs(seed: int = 0) -> dict:
    key = jax.random.key(seed)
    ks = jax.random.split(key, 14)
    x = jax.random.normal(ks[0], (N, D_IN), dtype=jnp.float32)
    edge_index = jax.random.randint(ks[1], (2, E), 0, N, dtype=jnp.int32)
    W1 = jax.random.normal(ks[2], (D_IN, D_HID), dtype=jnp.float32) * 0.05
    b1 = jnp.zeros((D_HID,), dtype=jnp.float32)
    g1 = jnp.ones((D_HID,), dtype=jnp.float32)
    be1 = jnp.zeros((D_HID,), dtype=jnp.float32)
    W2 = jax.random.normal(ks[3], (D_HID, D_HID), dtype=jnp.float32) * 0.05
    b2 = jnp.zeros((D_HID,), dtype=jnp.float32)
    g2 = jnp.ones((D_HID,), dtype=jnp.float32)
    be2 = jnp.zeros((D_HID,), dtype=jnp.float32)
    W3 = jax.random.normal(ks[4], (D_HID, D_OUT), dtype=jnp.float32) * 0.05
    b3 = jnp.zeros((D_OUT,), dtype=jnp.float32)
    return {"x": x, "edge_index": edge_index,
            "W1": W1, "b1": b1, "g1": g1, "be1": be1,
            "W2": W2, "b2": b2, "g2": g2, "be2": be2,
            "W3": W3, "b3": b3}


def gcn_conv(x, edge_index, W, b):
    # PyG GCNConv: add self-loops, symmetric normalization, linear transform, scatter-add aggregate
    n = x.shape[0]
    loop = jnp.arange(n, dtype=edge_index.dtype)
    src = jnp.concatenate([edge_index[0], loop])
    dst = jnp.concatenate([edge_index[1], loop])
    xw = x @ W
    deg = jnp.zeros((n,), dtype=x.dtype).at[dst].add(1.0)
    dinv = jnp.where(deg > 0, jax.lax.rsqrt(deg), 0.0)
    norm = dinv[src] * dinv[dst]
    msg = jnp.take(xw, src, axis=0) * norm[:, None]
    out = jnp.zeros((n, xw.shape[1]), dtype=x.dtype).at[dst].add(msg)
    return out + b


def bn_eval(x, g, be, eps=1e-5):
    # BatchNorm1d in eval mode with default running stats (mean=0, var=1)
    return g * (x / jnp.sqrt(1.0 + eps)) + be


def reference(x, edge_index, W1, b1, g1, be1, W2, b2, g2, be2, W3, b3):
    h = gcn_conv(x, edge_index, W1, b1)
    h = bn_eval(h, g1, be1)
    h = jax.nn.relu(h)
    # dropout is identity in eval mode
    h = gcn_conv(h, edge_index, W2, b2)
    h = bn_eval(h, g2, be2)
    h = jax.nn.relu(h)
    h = gcn_conv(h, edge_index, W3, b3)
    return h

if __name__ == "__main__":
    import jax
    _d = setup_inputs()
    print(jax.jit(kernel)(*tuple(_d.values())))

</pallas_src>

<mosaic_0001>
#map = affine_map<(d0, d1) -> (0, 0, 0)>
#map1 = affine_map<(d0, d1) -> (0, 0)>
module attributes {stable_mosaic.version = 14 : i64} {
  func.func @_deg_kernel(%arg0: i32, %arg1: i32, %arg2: memref<32x125x80xi32, #tpu.memory_space<hbm>>, %arg3: memref<10240x128xf32, #tpu.memory_space<hbm>>, %arg4: memref<80x128xf32, #tpu.memory_space<hbm>>, %arg5: memref<2x10240x128xf32, #tpu.memory_space<hbm>>, %arg6: memref<10240x128xf32, #tpu.memory_space<vmem_shared>>, %arg7: memref<125x80xi32, #tpu.memory_space<vmem>>, %arg8: memref<80x128xf32, #tpu.memory_space<vmem>>, %arg9: memref<!tpu.dma_semaphore, #tpu.memory_space<semaphore_mem>>, %arg10: memref<!tpu.dma_semaphore, #tpu.memory_space<semaphore_mem>>) attributes {dimension_semantics = [#tpu.dimension_semantics<core_parallel>, #tpu.dimension_semantics<subcore_parallel>], iteration_bounds = array<i64: 2, 16>, scalar_prefetch = 0 : i64, scratch_operands = 5 : i64, tpu.core_type = #tpu.core_type<sc_vector_subcore>, window_params = [{transform_indices = #map}, {transform_indices = #map1}, {transform_indices = #map1}, {transform_indices = #map}]} {
    %mul3A = arith.constant 640 : i32
    %mul3A_0 = arith.muli %arg1, %mul3A : i32
    %mul3A_1 = arith.constant 16 : i32
    %mul3A_2 = arith.muli %arg0, %mul3A_1 : i32
    %add3A = arith.addi %mul3A_2, %arg1 : i32
    %dma_start3A = arith.constant 0 : i32
    %dma_start3A_3 = arith.constant 0 : i32
    %dma_start3A_4 = tpu.memref_slice %arg2[%add3A, %dma_start3A, %dma_start3A_3] : memref<32x125x80xi32, #tpu.memory_space<hbm>> -> memref<1x125x80xi32, #tpu.memory_space<hbm>>
    %dma_start3A_5 = tpu.memref_squeeze %dma_start3A_4 : memref<1x125x80xi32, #tpu.memory_space<hbm>> -> memref<125x80xi32, #tpu.memory_space<hbm>>
    %dma_start3A_6 = arith.constant 0 : i32
    %dma_start3A_7 = arith.constant 0 : i32
    %dma_start3A_8 = tpu.memref_slice %arg2[%add3A, %dma_start3A_6, %dma_start3A_7] : memref<32x125x80xi32, #tpu.memory_space<hbm>> -> memref<1x125x80xi32, #tpu.memory_space<hbm>>
    %dma_start3A_9 = tpu.memref_squeeze %dma_start3A_8 : memref<1x125x80xi32, #tpu.memory_space<hbm>> -> memref<125x80xi32, #tpu.memory_space<hbm>>
    tpu.enqueue_dma source(%dma_start3A_9 : memref<125x80xi32, #tpu.memory_space<hbm>>) target(%arg7 : memref<125x80xi32, #tpu.memory_space<vmem>>) target_semaphore(%arg9 : memref<!tpu.dma_semaphore, #tpu.memory_space<semaphore_mem>>)
    %dma_start3A_10 = arith.constant 0 : i32
    %dma_start3A_11 = tpu.memref_slice %arg6[%mul3A_0, %dma_start3A_10] : memref<10240x128xf32, #tpu.memory_space<vmem_shared>> -> memref<640x128xf32, #tpu.memory_space<vmem_shared>>
    %dma_start3A_12 = arith.constant 0 : i32
    %dma_start3A_13 = tpu.memref_slice %arg3[%mul3A_0, %dma_start3A_12] : memref<10240x128xf32, #tpu.memory_space<hbm>> -> memref<640x128xf32, #tpu.memory_space<hbm>>
    tpu.enqueue_dma source(%dma_start3A_13 : memref<640x128xf32, #tpu.memory_space<hbm>>) target(%dma_start3A_11 : memref<640x128xf32, #tpu.memory_space<vmem_shared>>) target_semaphore(%arg10 : memref<!tpu.dma_semaphore, #tpu.memory_space<semaphore_mem>>)
    "tpu.region"() ({
      %run_scoped3A = tpu.sem_alloc : memref<!tpu.dma_semaphore, #tpu.memory_space<semaphore_mem>>
      tpu.enqueue_dma source(%arg4 : memref<80x128xf32, #tpu.memory_space<hbm>>) target(%arg8 : memref<80x128xf32, #tpu.memory_space<vmem>>) target_semaphore(%run_scoped3A : memref<!tpu.dma_semaphore, #tpu.memory_space<semaphore_mem>>)
      tpu.wait_dma2 semaphore(%run_scoped3A : memref<!tpu.dma_semaphore, #tpu.memory_space<semaphore_mem>>) src(%arg4 : memref<80x128xf32, #tpu.memory_space<hbm>>) dst(%arg8 : memref<80x128xf32, #tpu.memory_space<vmem>>)
      tpu.yield
    }) : () -> ()
    %dma_wait3A = arith.constant 0 : i32
    %dma_wait3A_14 = arith.constant 0 : i32
    %dma_wait3A_15 = tpu.memref_slice %arg2[%add3A, %dma_wait3A, %dma_wait3A_14] : memref<32x125x80xi32, #tpu.memory_space<hbm>> -> memref<1x125x80xi32, #tpu.memory_space<hbm>>
    %dma_wait3A_16 = tpu.memref_squeeze %dma_wait3A_15 : memref<1x125x80xi32, #tpu.memory_space<hbm>> -> memref<125x80xi32, #tpu.memory_space<hbm>>
    %dma_wait3A_17 = arith.constant 0 : i32
    %dma_wait3A_18 = arith.constant 0 : i32
    %dma_wait3A_19 = tpu.memref_slice %arg2[%add3A, %dma_wait3A_17, %dma_wait3A_18] : memref<32x125x80xi32, #tpu.memory_space<hbm>> -> memref<1x125x80xi32, #tpu.memory_space<hbm>>
    %dma_wait3A_20 = tpu.memref_squeeze %dma_wait3A_19 : memref<1x125x80xi32, #tpu.memory_space<hbm>> -> memref<125x80xi32, #tpu.memory_space<hbm>>
    tpu.wait_dma2 semaphore(%arg9 : memref<!tpu.dma_semaphore, #tpu.memory_space<semaphore_mem>>) src(%dma_wait3A_20 : memref<125x80xi32, #tpu.memory_space<hbm>>) dst(%arg7 : memref<125x80xi32, #tpu.memory_space<vmem>>)
    %dma_wait3A_21 = arith.constant 0 : i32
    %dma_wait3A_22 = tpu.memref_slice %arg6[%mul3A_0, %dma_wait3A_21] : memref<10240x128xf32, #tpu.memory_space<vmem_shared>> -> memref<640x128xf32, #tpu.memory_space<vmem_shared>>
    %dma_wait3A_23 = arith.constant 0 : i32
    %dma_wait3A_24 = tpu.memref_slice %arg3[%mul3A_0, %dma_wait3A_23] : memref<10240x128xf32, #tpu.memory_space<hbm>> -> memref<640x128xf32, #tpu.memory_space<hbm>>
    tpu.wait_dma2 semaphore(%arg10 : memref<!tpu.dma_semaphore, #tpu.memory_space<semaphore_mem>>) src(%dma_wait3A_24 : memref<640x128xf32, #tpu.memory_space<hbm>>) dst(%dma_wait3A_22 : memref<640x128xf32, #tpu.memory_space<vmem_shared>>)
    %barrier3A = arith.constant 0 : index
    tpu.barrier barrier_id(%barrier3A)
    %dma_start3A_25 = arith.constant 0 : i32
    %dma_start3A_26 = arith.constant 0 : i32
    %dma_start3A_27 = tpu.memref_slice %arg7[%dma_start3A_25, %dma_start3A_26] : memref<125x80xi32, #tpu.memory_space<vmem>> -> memref<1x80xi32, #tpu.memory_space<vmem>>
    %dma_start3A_28 = tpu.memref_squeeze %dma_start3A_27 : memref<1x80xi32, #tpu.memory_space<vmem>> -> memref<80xi32, #tpu.memory_space<vmem>>
    %dma_start3A_29 = arith.constant 0 : i32
    %dma_start3A_30 = arith.constant 0 : i32
    %dma_start3A_31 = tpu.memref_slice %arg6[%dma_start3A_29, %dma_start3A_30] : memref<10240x128xf32, #tpu.memory_space<vmem_shared>> -> memref<10240x128xf32, #tpu.memory_space<vmem_shared>>
    tpu.enqueue_indirect_dma source(%arg8 : memref<80x128xf32, #tpu.memory_space<vmem>>) target(%dma_start3A_31 : memref<10240x128xf32, #tpu.memory_space<vmem_shared>>) offsets(%dma_start3A_28 : memref<80xi32, #tpu.memory_space<vmem>>) semaphore(%arg9 : memref<!tpu.dma_semaphore, #tpu.memory_space<semaphore_mem>>) {add = true}
    %scan3A = arith.constant 0 : i32
    %scan3A_32 = arith.constant 0 : i32
    %scan3A_33 = arith.constant 62 : i32
    %scan3A_34 = arith.addi %scan3A_32, %scan3A_33 : i32
    %scan3A_35 = arith.constant 1 : i32
    scf.for %scan3A_45 = %scan3A_32 to %scan3A_34 step %scan3A_35  : i32 {
      %mul3A_46 = arith.constant 2 : i32
      %mul3A_47 = arith.muli %mul3A_46, %scan3A_45 : i32
      %add3A_48 = arith.constant 1 : i32
      %add3A_49 = arith.addi %mul3A_47, %add3A_48 : i32
      %dma_start3A_50 = arith.constant 0 : i32
      %dma_start3A_51 = tpu.memref_slice %arg7[%add3A_49, %dma_start3A_50] : memref<125x80xi32, #tpu.memory_space<vmem>> -> memref<1x80xi32, #tpu.memory_space<vmem>>
      %dma_start3A_52 = tpu.memref_squeeze %dma_start3A_51 : memref<1x80xi32, #tpu.memory_space<vmem>> -> memref<80xi32, #tpu.memory_space<vmem>>
      %dma_start3A_53 = arith.constant 0 : i32
      %dma_start3A_54 = arith.constant 0 : i32
      %dma_start3A_55 = tpu.memref_slice %arg6[%dma_start3A_53, %dma_start3A_54] : memref<10240x128xf32, #tpu.memory_space<vmem_shared>> -> memref<10240x128xf32, #tpu.memory_space<vmem_shared>>
      tpu.enqueue_indirect_dma source(%arg8 : memref<80x128xf32, #tpu.memory_space<vmem>>) target(%dma_start3A_55 : memref<10240x128xf32, #tpu.memory_space<vmem_shared>>) offsets(%dma_start3A_52 : memref<80xi32, #tpu.memory_space<vmem>>) semaphore(%arg10 : memref<!tpu.dma_semaphore, #tpu.memory_space<semaphore_mem>>) {add = true}
      %dma_wait3A_56 = arith.constant 0 : i32
      %dma_wait3A_57 = tpu.memref_slice %arg7[%mul3A_47, %dma_wait3A_56] : memref<125x80xi32, #tpu.memory_space<vmem>> -> memref<1x80xi32, #tpu.memory_space<vmem>>
      %dma_wait3A_58 = tpu.memref_squeeze %dma_wait3A_57 : memref<1x80xi32, #tpu.memory_space<vmem>> -> memref<80xi32, #tpu.memory_space<vmem>>
      %dma_wait3A_59 = arith.constant 0 : i32
      %dma_wait3A_60 = arith.constant 0 : i32
      %dma_wait3A_61 = tpu.memref_slice %arg6[%dma_wait3A_59, %dma_wait3A_60] : memref<10240x128xf32, #tpu.memory_space<vmem_shared>> -> memref<10240x128xf32, #tpu.memory_space<vmem_shared>>
      tpu.wait_indirect_dma semaphore(%arg9 : memref<!tpu.dma_semaphore, #tpu.memory_space<semaphore_mem>>) src(%arg8 : memref<80x128xf32, #tpu.memory_space<vmem>>) dst(%dma_wait3A_61 : memref<10240x128xf32, #tpu.memory_space<vmem_shared>>)
      %add3A_62 = arith.constant 2 : i32
      %add3A_63 = arith.addi %mul3A_47, %add3A_62 : i32
      %lt3A = arith.constant 125 : i32
      %lt3A_64 = arith.cmpi slt, %add3A_63, %lt3A : i32
      %convert_element_type3A = arith.extui %lt3A_64 : i1 to i32
      %cond3A = arith.constant 0 : i32
      %cond3A_65 = arith.cmpi ne, %convert_element_type3A, %cond3A : i32
      scf.if %cond3A_65 {
        %add3A_74 = arith.constant 2 : i32
        %add3A_75 = arith.addi %mul3A_47, %add3A_74 : i32
        %dma_start3A_76 = arith.constant 0 : i32
        %dma_start3A_77 = tpu.memref_slice %arg7[%add3A_75, %dma_start3A_76] : memref<125x80xi32, #tpu.memory_space<vmem>> -> memref<1x80xi32, #tpu.memory_space<vmem>>
        %dma_start3A_78 = tpu.memref_squeeze %dma_start3A_77 : memref<1x80xi32, #tpu.memory_space<vmem>> -> memref<80xi32, #tpu.memory_space<vmem>>
        %dma_start3A_79 = arith.constant 0 : i32
        %dma_start3A_80 = arith.constant 0 : i32
        %dma_start3A_81 = tpu.memref_slice %arg6[%dma_start3A_79, %dma_start3A_80] : memref<10240x128xf32, #tpu.memory_space<vmem_shared>> -> memref<10240x128xf32, #tpu.memory_space<vmem_shared>>
        tpu.enqueue_indirect_dma source(%arg8 : memref<80x128xf32, #tpu.memory_space<vmem>>) target(%dma_start3A_81 : memref<10240x128xf32, #tpu.memory_space<vmem_shared>>) offsets(%dma_start3A_78 : memref<80xi32, #tpu.memory_space<vmem>>) semaphore(%arg9 : memref<!tpu.dma_semaphore, #tpu.memory_space<semaphore_mem>>) {add = true}
      } else {
      }
      %add3A_66 = arith.constant 1 : i32
      %add3A_67 = arith.addi %mul3A_47, %add3A_66 : i32
      %dma_wait3A_68 = arith.constant 0 : i32
      %dma_wait3A_69 = tpu.memref_slice %arg7[%add3A_67, %dma_wait3A_68] : memref<125x80xi32, #tpu.memory_space<vmem>> -> memref<1x80xi32, #tpu.memory_space<vmem>>
      %dma_wait3A_70 = tpu.memref_squeeze %dma_wait3A_69 : memref<1x80xi32, #tpu.memory_space<vmem>> -> memref<80xi32, #tpu.memory_space<vmem>>
      %dma_wait3A_71 = arith.constant 0 : i32
      %dma_wait3A_72 = arith.constant 0 : i32
      %dma_wait3A_73 = tpu.memref_slice %arg6[%dma_wait3A_71, %dma_wait3A_72] : memref<10240x128xf32, #tpu.memory_space<vmem_shared>> -> memref<10240x128xf32, #tpu.memory_space<vmem_shared>>
      tpu.wait_indirect_dma semaphore(%arg10 : memref<!tpu.dma_semaphore, #tpu.memory_space<semaphore_mem>>) src(%arg8 : memref<80x128xf32, #tpu.memory_space<vmem>>) dst(%dma_wait3A_73 : memref<10240x128xf32, #tpu.memory_space<vmem_shared>>)
    }
    %scan3A_36 = arith.constant 62 : i32
    %dma_wait3A_37 = arith.constant 124 : i32
    %dma_wait3A_38 = arith.constant 0 : i32
    %dma_wait3A_39 = tpu.memref_slice %arg7[%dma_wait3A_37, %dma_wait3A_38] : memref<125x80xi32, #tpu.memory_space<vmem>> -> memref<1x80xi32, #tpu.memory_space<vmem>>
    %dma_wait3A_40 = tpu.memref_squeeze %dma_wait3A_39 : memref<1x80xi32, #tpu.memory_space<vmem>> -> memref<80xi32, #tpu.memory_space<vmem>>
    %dma_wait3A_41 = arith.constant 0 : i32
    %dma_wait3A_42 = arith.constant 0 : i32
    %dma_wait3A_43 = tpu.memref_slice %arg6[%dma_wait3A_41, %dma_wait3A_42] : memref<10240x128xf32, #tpu.memory_space<vmem_shared>> -> memref<10240x128xf32, #tpu.memory_space<vmem_shared>>
    tpu.wait_indirect_dma semaphore(%arg9 : memref<!tpu.dma_semaphore, #tpu.memory_space<semaphore_mem>>) src(%arg8 : memref<80x128xf32, #tpu.memory_space<vmem>>) dst(%dma_wait3A_43 : memref<10240x128xf32, #tpu.memory_space<vmem_shared>>)
    %barrier3A_44 = arith.constant 0 : index
    tpu.barrier barrier_id(%barrier3A_44)
    "tpu.region"() ({
      %run_scoped3A = tpu.sem_alloc : memref<!tpu.dma_semaphore, #tpu.memory_space<semaphore_mem>>
      %dma_start3A_45 = arith.constant 0 : i32
      %dma_start3A_46 = tpu.memref_slice %arg5[%arg0, %mul3A_0, %dma_start3A_45] : memref<2x10240x128xf32, #tpu.memory_space<hbm>> -> memref<1x640x128xf32, #tpu.memory_space<hbm>>
      %dma_start3A_47 = tpu.memref_squeeze %dma_start3A_46 : memref<1x640x128xf32, #tpu.memory_space<hbm>> -> memref<640x128xf32, #tpu.memory_space<hbm>>
      %dma_start3A_48 = arith.constant 0 : i32
      %dma_start3A_49 = tpu.memref_slice %arg6[%mul3A_0, %dma_start3A_48] : memref<10240x128xf32, #tpu.memory_space<vmem_shared>> -> memref<640x128xf32, #tpu.memory_space<vmem_shared>>
      tpu.enqueue_dma source(%dma_start3A_49 : memref<640x128xf32, #tpu.memory_space<vmem_shared>>) target(%dma_start3A_47 : memref<640x128xf32, #tpu.memory_space<hbm>>) target_semaphore(%run_scoped3A : memref<!tpu.dma_semaphore, #tpu.memory_space<semaphore_mem>>)
      %dma_wait3A_50 = arith.constant 0 : i32
      %dma_wait3A_51 = tpu.memref_slice %arg5[%arg0, %mul3A_0, %dma_wait3A_50] : memref<2x10240x128xf32, #tpu.memory_space<hbm>> -> memref<1x640x128xf32, #tpu.memory_space<hbm>>
      %dma_wait3A_52 = tpu.memref_squeeze %dma_wait3A_51 : memref<1x640x128xf32, #tpu.memory_space<hbm>> -> memref<640x128xf32, #tpu.memory_space<hbm>>
      %dma_wait3A_53 = arith.constant 0 : i32
      %dma_wait3A_54 = tpu.memref_slice %arg6[%mul3A_0, %dma_wait3A_53] : memref<10240x128xf32, #tpu.memory_space<vmem_shared>> -> memref<640x128xf32, #tpu.memory_space<vmem_shared>>
      tpu.wait_dma2 semaphore(%run_scoped3A : memref<!tpu.dma_semaphore, #tpu.memory_space<semaphore_mem>>) src(%dma_wait3A_54 : memref<640x128xf32, #tpu.memory_space<vmem_shared>>) dst(%dma_wait3A_52 : memref<640x128xf32, #tpu.memory_space<hbm>>)
      tpu.yield
    }) : () -> ()
    return
  }
}

#map = affine_map<(d0, d1) -> (0, 0)>
#map1 = affine_map<(d0, d1) -> (0, 0, 0)>
module attributes {stable_mosaic.version = 14 : i64} {
  func.func @_agg_kernel(%arg0: i32, %arg1: i32, %arg2: memref<10000x128xf32, #tpu.memory_space<hbm>>, %arg3: memref<32x125x80xi32, #tpu.memory_space<hbm>>, %arg4: memref<32x125x80xi32, #tpu.memory_space<hbm>>, %arg5: memref<10240x128xf32, #tpu.memory_space<hbm>>, %arg6: memref<2x10240x128xf32, #tpu.memory_space<hbm>>, %arg7: memref<10240x128xf32, #tpu.memory_space<vmem_shared>>, %arg8: memref<125x80xi32, #tpu.memory_space<vmem>>, %arg9: memref<80xi32, #tpu.memory_space<vmem>>, %arg10: memref<80xi32, #tpu.memory_space<vmem>>, %arg11: memref<80x128xf32, #tpu.memory_space<vmem>>, %arg12: memref<80x128xf32, #tpu.memory_space<vmem>>, %arg13: memref<!tpu.dma_semaphore, #tpu.memory_space<semaphore_mem>>, %arg14: memref<!tpu.dma_semaphore, #tpu.memory_space<semaphore_mem>>, %arg15: memref<!tpu.dma_semaphore, #tpu.memory_space<semaphore_mem>>, %arg16: memref<!tpu.dma_semaphore, #tpu.memory_space<semaphore_mem>>, %arg17: memref<!tpu.dma_semaphore, #tpu.memory_space<semaphore_mem>>, %arg18: memref<!tpu.dma_semaphore, #tpu.memory_space<semaphore_mem>>) attributes {dimension_semantics = [#tpu.dimension_semantics<core_parallel>, #tpu.dimension_semantics<subcore_parallel>], iteration_bounds = array<i64: 2, 16>, scalar_prefetch = 0 : i64, scratch_operands = 12 : i64, tpu.core_type = #tpu.core_type<sc_vector_subcore>, window_params = [{transform_indices = #map}, {transform_indices = #map1}, {transform_indices = #map1}, {transform_indices = #map}, {transform_indices = #map1}]} {
    %mul3A = arith.constant 640 : i32
    %mul3A_0 = arith.muli %arg1, %mul3A : i32
    %mul3A_1 = arith.constant 16 : i32
    %mul3A_2 = arith.muli %arg0, %mul3A_1 : i32
    %add3A = arith.addi %mul3A_2, %arg1 : i32
    %dma_start3A = arith.constant 0 : i32
    %dma_start3A_3 = arith.constant 0 : i32
    %dma_start3A_4 = tpu.memref_slice %arg4[%add3A, %dma_start3A, %dma_start3A_3] : memref<32x125x80xi32, #tpu.memory_space<hbm>> -> memref<1x125x80xi32, #tpu.memory_space<hbm>>
    %dma_start3A_5 = tpu.memref_squeeze %dma_start3A_4 : memref<1x125x80xi32, #tpu.memory_space<hbm>> -> memref<125x80xi32, #tpu.memory_space<hbm>>
    %dma_start3A_6 = arith.constant 0 : i32
    %dma_start3A_7 = arith.constant 0 : i32
    %dma_start3A_8 = tpu.memref_slice %arg4[%add3A, %dma_start3A_6, %dma_start3A_7] : memref<32x125x80xi32, #tpu.memory_space<hbm>> -> memref<1x125x80xi32, #tpu.memory_space<hbm>>
    %dma_start3A_9 = tpu.memref_squeeze %dma_start3A_8 : memref<1x125x80xi32, #tpu.memory_space<hbm>> -> memref<125x80xi32, #tpu.memory_space<hbm>>
    tpu.enqueue_dma source(%dma_start3A_9 : memref<125x80xi32, #tpu.memory_space<hbm>>) target(%arg8 : memref<125x80xi32, #tpu.memory_space<vmem>>) target_semaphore(%arg15 : memref<!tpu.dma_semaphore, #tpu.memory_space<semaphore_mem>>)
    %dma_start3A_10 = arith.constant 0 : i32
    %dma_start3A_11 = tpu.memref_slice %arg7[%mul3A_0, %dma_start3A_10] : memref<10240x128xf32, #tpu.memory_space<vmem_shared>> -> memref<640x128xf32, #tpu.memory_space<vmem_shared>>
    %dma_start3A_12 = arith.constant 0 : i32
    %dma_start3A_13 = tpu.memref_slice %arg5[%mul3A_0, %dma_start3A_12] : memref<10240x128xf32, #tpu.memory_space<hbm>> -> memref<640x128xf32, #tpu.memory_space<hbm>>
    tpu.enqueue_dma source(%dma_start3A_13 : memref<640x128xf32, #tpu.memory_space<hbm>>) target(%dma_start3A_11 : memref<640x128xf32, #tpu.memory_space<vmem_shared>>) target_semaphore(%arg16 : memref<!tpu.dma_semaphore, #tpu.memory_space<semaphore_mem>>)
    %dma_wait3A = arith.constant 0 : i32
    %dma_wait3A_14 = arith.constant 0 : i32
    %dma_wait3A_15 = tpu.memref_slice %arg4[%add3A, %dma_wait3A, %dma_wait3A_14] : memref<32x125x80xi32, #tpu.memory_space<hbm>> -> memref<1x125x80xi32, #tpu.memory_space<hbm>>
    %dma_wait3A_16 = tpu.memref_squeeze %dma_wait3A_15 : memref<1x125x80xi32, #tpu.memory_space<hbm>> -> memref<125x80xi32, #tpu.memory_space<hbm>>
    %dma_wait3A_17 = arith.constant 0 : i32
    %dma_wait3A_18 = arith.constant 0 : i32
    %dma_wait3A_19 = tpu.memref_slice %arg4[%add3A, %dma_wait3A_17, %dma_wait3A_18] : memref<32x125x80xi32, #tpu.memory_space<hbm>> -> memref<1x125x80xi32, #tpu.memory_space<hbm>>
    %dma_wait3A_20 = tpu.memref_squeeze %dma_wait3A_19 : memref<1x125x80xi32, #tpu.memory_space<hbm>> -> memref<125x80xi32, #tpu.memory_space<hbm>>
    tpu.wait_dma2 semaphore(%arg15 : memref<!tpu.dma_semaphore, #tpu.memory_space<semaphore_mem>>) src(%dma_wait3A_20 : memref<125x80xi32, #tpu.memory_space<hbm>>) dst(%arg8 : memref<125x80xi32, #tpu.memory_space<vmem>>)
    %dma_wait3A_21 = arith.constant 0 : i32
    %dma_wait3A_22 = tpu.memref_slice %arg7[%mul3A_0, %dma_wait3A_21] : memref<10240x128xf32, #tpu.memory_space<vmem_shared>> -> memref<640x128xf32, #tpu.memory_space<vmem_shared>>
    %dma_wait3A_23 = arith.constant 0 : i32
    %dma_wait3A_24 = tpu.memref_slice %arg5[%mul3A_0, %dma_wait3A_23] : memref<10240x128xf32, #tpu.memory_space<hbm>> -> memref<640x128xf32, #tpu.memory_space<hbm>>
    tpu.wait_dma2 semaphore(%arg16 : memref<!tpu.dma_semaphore, #tpu.memory_space<semaphore_mem>>) src(%dma_wait3A_24 : memref<640x128xf32, #tpu.memory_space<hbm>>) dst(%dma_wait3A_22 : memref<640x128xf32, #tpu.memory_space<vmem_shared>>)
    %barrier3A = arith.constant 0 : index
    tpu.barrier barrier_id(%barrier3A)
    %run_scoped3A = arith.constant 0 : i32
    "tpu.region"() ({
      %run_scoped3A_52 = tpu.sem_alloc : memref<!tpu.dma_semaphore, #tpu.memory_space<semaphore_mem>>
      %dma_start3A_53 = arith.constant 0 : i32
      %dma_start3A_54 = tpu.memref_slice %arg3[%add3A, %run_scoped3A, %dma_start3A_53] : memref<32x125x80xi32, #tpu.memory_space<hbm>> -> memref<1x1x80xi32, #tpu.memory_space<hbm>>
      %dma_start3A_55 = tpu.memref_squeeze %dma_start3A_54 : memref<1x1x80xi32, #tpu.memory_space<hbm>> -> memref<80xi32, #tpu.memory_space<hbm>>
      %dma_start3A_56 = arith.constant 0 : i32
      %dma_start3A_57 = tpu.memref_slice %arg3[%add3A, %run_scoped3A, %dma_start3A_56] : memref<32x125x80xi32, #tpu.memory_space<hbm>> -> memref<1x1x80xi32, #tpu.memory_space<hbm>>
      %dma_start3A_58 = tpu.memref_squeeze %dma_start3A_57 : memref<1x1x80xi32, #tpu.memory_space<hbm>> -> memref<80xi32, #tpu.memory_space<hbm>>
      tpu.enqueue_dma source(%dma_start3A_58 : memref<80xi32, #tpu.memory_space<hbm>>) target(%arg9 : memref<80xi32, #tpu.memory_space<vmem>>) target_semaphore(%run_scoped3A_52 : memref<!tpu.dma_semaphore, #tpu.memory_space<semaphore_mem>>)
      %dma_wait3A_59 = arith.constant 0 : i32
      %dma_wait3A_60 = tpu.memref_slice %arg3[%add3A, %run_scoped3A, %dma_wait3A_59] : memref<32x125x80xi32, #tpu.memory_space<hbm>> -> memref<1x1x80xi32, #tpu.memory_space<hbm>>
      %dma_wait3A_61 = tpu.memref_squeeze %dma_wait3A_60 : memref<1x1x80xi32, #tpu.memory_space<hbm>> -> memref<80xi32, #tpu.memory_space<hbm>>
      %dma_wait3A_62 = arith.constant 0 : i32
      %dma_wait3A_63 = tpu.memref_slice %arg3[%add3A, %run_scoped3A, %dma_wait3A_62] : memref<32x125x80xi32, #tpu.memory_space<hbm>> -> memref<1x1x80xi32, #tpu.memory_space<hbm>>
      %dma_wait3A_64 = tpu.memref_squeeze %dma_wait3A_63 : memref<1x1x80xi32, #tpu.memory_space<hbm>> -> memref<80xi32, #tpu.memory_space<hbm>>
      tpu.wait_dma2 semaphore(%run_scoped3A_52 : memref<!tpu.dma_semaphore, #tpu.memory_space<semaphore_mem>>) src(%dma_wait3A_64 : memref<80xi32, #tpu.memory_space<hbm>>) dst(%arg9 : memref<80xi32, #tpu.memory_space<vmem>>)
      tpu.yield
    }) : () -> ()
    %dma_start3A_25 = arith.constant 0 : i32
    %dma_start3A_26 = arith.constant 0 : i32
    %dma_start3A_27 = tpu.memref_slice %arg2[%dma_start3A_25, %dma_start3A_26] : memref<10000x128xf32, #tpu.memory_space<hbm>> -> memref<10000x128xf32, #tpu.memory_space<hbm>>
    tpu.enqueue_indirect_dma source(%dma_start3A_27 : memref<10000x128xf32, #tpu.memory_space<hbm>>) target(%arg11 : memref<80x128xf32, #tpu.memory_space<vmem>>) offsets(%arg9 : memref<80xi32, #tpu.memory_space<vmem>>) semaphore(%arg15 : memref<!tpu.dma_semaphore, #tpu.memory_space<semaphore_mem>>)
    %dma_start3A_28 = arith.constant 1 : i32
    %dma_start3A_29 = arith.constant 0 : i32
    %dma_start3A_30 = tpu.memref_slice %arg3[%add3A, %dma_start3A_28, %dma_start3A_29] : memref<32x125x80xi32, #tpu.memory_space<hbm>> -> memref<1x1x80xi32, #tpu.memory_space<hbm>>
    %dma_start3A_31 = tpu.memref_squeeze %dma_start3A_30 : memref<1x1x80xi32, #tpu.memory_space<hbm>> -> memref<80xi32, #tpu.memory_space<hbm>>
    %dma_start3A_32 = arith.constant 0 : i32
    %dma_start3A_33 = tpu.memref_slice %arg3[%add3A, %dma_start3A_28, %dma_start3A_32] : memref<32x125x80xi32, #tpu.memory_space<hbm>> -> memref<1x1x80xi32, #tpu.memory_space<hbm>>
    %dma_start3A_34 = tpu.memref_squeeze %dma_start3A_33 : memref<1x1x80xi32, #tpu.memory_space<hbm>> -> memref<80xi32, #tpu.memory_space<hbm>>
    tpu.enqueue_dma source(%dma_start3A_34 : memref<80xi32, #tpu.memory_space<hbm>>) target(%arg10 : memref<80xi32, #tpu.memory_space<vmem>>) target_semaphore(%arg14 : memref<!tpu.dma_semaphore, #tpu.memory_space<semaphore_mem>>)
    %scan3A = arith.constant 0 : i32
    %scan3A_35 = arith.constant 0 : i32
    %scan3A_36 = arith.constant 62 : i32
    %scan3A_37 = arith.addi %scan3A_35, %scan3A_36 : i32
    %scan3A_38 = arith.constant 1 : i32
    scf.for %scan3A_52 = %scan3A_35 to %scan3A_37 step %scan3A_38  : i32 {
      %mul3A_53 = arith.constant 2 : i32
      %mul3A_54 = arith.muli %mul3A_53, %scan3A_52 : i32
      %add3A_55 = arith.constant 1 : i32
      %add3A_56 = arith.addi %mul3A_54, %add3A_55 : i32
      %dma_wait3A_57 = arith.constant 0 : i32
      %dma_wait3A_58 = tpu.memref_slice %arg3[%add3A, %add3A_56, %dma_wait3A_57] : memref<32x125x80xi32, #tpu.memory_space<hbm>> -> memref<1x1x80xi32, #tpu.memory_space<hbm>>
      %dma_wait3A_59 = tpu.memref_squeeze %dma_wait3A_58 : memref<1x1x80xi32, #tpu.memory_space<hbm>> -> memref<80xi32, #tpu.memory_space<hbm>>
      %dma_wait3A_60 = arith.constant 0 : i32
      %dma_wait3A_61 = tpu.memref_slice %arg3[%add3A, %add3A_56, %dma_wait3A_60] : memref<32x125x80xi32, #tpu.memory_space<hbm>> -> memref<1x1x80xi32, #tpu.memory_space<hbm>>
      %dma_wait3A_62 = tpu.memref_squeeze %dma_wait3A_61 : memref<1x1x80xi32, #tpu.memory_space<hbm>> -> memref<80xi32, #tpu.memory_space<hbm>>
      tpu.wait_dma2 semaphore(%arg14 : memref<!tpu.dma_semaphore, #tpu.memory_space<semaphore_mem>>) src(%dma_wait3A_62 : memref<80xi32, #tpu.memory_space<hbm>>) dst(%arg10 : memref<80xi32, #tpu.memory_space<vmem>>)
      %ge3A = arith.constant 1 : i32
      %ge3A_63 = arith.cmpi sge, %mul3A_54, %ge3A : i32
      %convert_element_type3A = arith.extui %ge3A_63 : i1 to i32
      %cond3A = arith.constant 0 : i32
      %cond3A_64 = arith.cmpi ne, %convert_element_type3A, %cond3A : i32
      scf.if %cond3A_64 {
        %dma_wait3A_117 = arith.constant 0 : i32
        %dma_wait3A_118 = tpu.memref_slice %arg8[%mul3A_54, %dma_wait3A_117] : memref<125x80xi32, #tpu.memory_space<vmem>> -> memref<1x80xi32, #tpu.memory_space<vmem>>
        %dma_wait3A_119 = tpu.memref_squeeze %dma_wait3A_118 : memref<1x80xi32, #tpu.memory_space<vmem>> -> memref<80xi32, #tpu.memory_space<vmem>>
        %dma_wait3A_120 = arith.constant 0 : i32
        %dma_wait3A_121 = arith.constant 0 : i32
        %dma_wait3A_122 = tpu.memref_slice %arg7[%dma_wait3A_120, %dma_wait3A_121] : memref<10240x128xf32, #tpu.memory_space<vmem_shared>> -> memref<10240x128xf32, #tpu.memory_space<vmem_shared>>
        tpu.wait_indirect_dma semaphore(%arg18 : memref<!tpu.dma_semaphore, #tpu.memory_space<semaphore_mem>>) src(%arg12 : memref<80x128xf32, #tpu.memory_space<vmem>>) dst(%dma_wait3A_122 : memref<10240x128xf32, #tpu.memory_space<vmem_shared>>)
      } else {
      }
      %dma_start3A_65 = arith.constant 0 : i32
      %dma_start3A_66 = arith.constant 0 : i32
      %dma_start3A_67 = tpu.memref_slice %arg2[%dma_start3A_65, %dma_start3A_66] : memref<10000x128xf32, #tpu.memory_space<hbm>> -> memref<10000x128xf32, #tpu.memory_space<hbm>>
      tpu.enqueue_indirect_dma source(%dma_start3A_67 : memref<10000x128xf32, #tpu.memory_space<hbm>>) target(%arg12 : memref<80x128xf32, #tpu.memory_space<vmem>>) offsets(%arg10 : memref<80xi32, #tpu.memory_space<vmem>>) semaphore(%arg16 : memref<!tpu.dma_semaphore, #tpu.memory_space<semaphore_mem>>)
      %dma_wait3A_68 = arith.constant 0 : i32
      %dma_wait3A_69 = arith.constant 0 : i32
      %dma_wait3A_70 = tpu.memref_slice %arg2[%dma_wait3A_68, %dma_wait3A_69] : memref<10000x128xf32, #tpu.memory_space<hbm>> -> memref<10000x128xf32, #tpu.memory_space<hbm>>
      tpu.wait_indirect_dma semaphore(%arg15 : memref<!tpu.dma_semaphore, #tpu.memory_space<semaphore_mem>>) src(%dma_wait3A_70 : memref<10000x128xf32, #tpu.memory_space<hbm>>) dst(%arg11 : memref<80x128xf32, #tpu.memory_space<vmem>>)
      %dma_start3A_71 = arith.constant 0 : i32
      %dma_start3A_72 = tpu.memref_slice %arg8[%mul3A_54, %dma_start3A_71] : memref<125x80xi32, #tpu.memory_space<vmem>> -> memref<1x80xi32, #tpu.memory_space<vmem>>
      %dma_start3A_73 = tpu.memref_squeeze %dma_start3A_72 : memref<1x80xi32, #tpu.memory_space<vmem>> -> memref<80xi32, #tpu.memory_space<vmem>>
      %dma_start3A_74 = arith.constant 0 : i32
      %dma_start3A_75 = arith.constant 0 : i32
      %dma_start3A_76 = tpu.memref_slice %arg7[%dma_start3A_74, %dma_start3A_75] : memref<10240x128xf32, #tpu.memory_space<vmem_shared>> -> memref<10240x128xf32, #tpu.memory_space<vmem_shared>>
      tpu.enqueue_indirect_dma source(%arg11 : memref<80x128xf32, #tpu.memory_space<vmem>>) target(%dma_start3A_76 : memref<10240x128xf32, #tpu.memory_space<vmem_shared>>) offsets(%dma_start3A_73 : memref<80xi32, #tpu.memory_space<vmem>>) semaphore(%arg17 : memref<!tpu.dma_semaphore, #tpu.memory_space<semaphore_mem>>) {add = true}
      %add3A_77 = arith.constant 2 : i32
      %add3A_78 = arith.addi %mul3A_54, %add3A_77 : i32
      %lt3A = arith.constant 125 : i32
      %lt3A_79 = arith.cmpi slt, %add3A_78, %lt3A : i32
      %convert_element_type3A_80 = arith.extui %lt3A_79 : i1 to i32
      %cond3A_81 = arith.constant 0 : i32
      %cond3A_82 = arith.cmpi ne, %convert_element_type3A_80, %cond3A_81 : i32
      scf.if %cond3A_82 {
        %add3A_117 = arith.constant 2 : i32
        %add3A_118 = arith.addi %mul3A_54, %add3A_117 : i32
        %dma_start3A_119 = arith.constant 0 : i32
        %dma_start3A_120 = tpu.memref_slice %arg3[%add3A, %add3A_118, %dma_start3A_119] : memref<32x125x80xi32, #tpu.memory_space<hbm>> -> memref<1x1x80xi32, #tpu.memory_space<hbm>>
        %dma_start3A_121 = tpu.memref_squeeze %dma_start3A_120 : memref<1x1x80xi32, #tpu.memory_space<hbm>> -> memref<80xi32, #tpu.memory_space<hbm>>
        %dma_start3A_122 = arith.constant 0 : i32
        %dma_start3A_123 = tpu.memref_slice %arg3[%add3A, %add3A_118, %dma_start3A_122] : memref<32x125x80xi32, #tpu.memory_space<hbm>> -> memref<1x1x80xi32, #tpu.memory_space<hbm>>
        %dma_start3A_124 = tpu.memref_squeeze %dma_start3A_123 : memref<1x1x80xi32, #tpu.memory_space<hbm>> -> memref<80xi32, #tpu.memory_space<hbm>>
        tpu.enqueue_dma source(%dma_start3A_124 : memref<80xi32, #tpu.memory_space<hbm>>) target(%arg9 : memref<80xi32, #tpu.memory_space<vmem>>) target_semaphore(%arg13 : memref<!tpu.dma_semaphore, #tpu.memory_space<semaphore_mem>>)
      } else {
      }
      %add3A_83 = arith.constant 1 : i32
      %add3A_84 = arith.addi %mul3A_54, %add3A_83 : i32
      %add3A_85 = arith.constant 1 : i32
      %add3A_86 = arith.addi %add3A_84, %add3A_85 : i32
      %dma_wait3A_87 = arith.constant 0 : i32
      %dma_wait3A_88 = tpu.memref_slice %arg3[%add3A, %add3A_86, %dma_wait3A_87] : memref<32x125x80xi32, #tpu.memory_space<hbm>> -> memref<1x1x80xi32, #tpu.memory_space<hbm>>
      %dma_wait3A_89 = tpu.memref_squeeze %dma_wait3A_88 : memref<1x1x80xi32, #tpu.memory_space<hbm>> -> memref<80xi32, #tpu.memory_space<hbm>>
      %dma_wait3A_90 = arith.constant 0 : i32
      %dma_wait3A_91 = tpu.memref_slice %arg3[%add3A, %add3A_86, %dma_wait3A_90] : memref<32x125x80xi32, #tpu.memory_space<hbm>> -> memref<1x1x80xi32, #tpu.memory_space<hbm>>
      %dma_wait3A_92 = tpu.memref_squeeze %dma_wait3A_91 : memref<1x1x80xi32, #tpu.memory_space<hbm>> -> memref<80xi32, #tpu.memory_space<hbm>>
      tpu.wait_dma2 semaphore(%arg13 : memref<!tpu.dma_semaphore, #tpu.memory_space<semaphore_mem>>) src(%dma_wait3A_92 : memref<80xi32, #tpu.memory_space<hbm>>) dst(%arg9 : memref<80xi32, #tpu.memory_space<vmem>>)
      %ge3A_93 = arith.constant 1 : i32
      %ge3A_94 = arith.cmpi sge, %add3A_84, %ge3A_93 : i32
      %convert_element_type3A_95 = arith.extui %ge3A_94 : i1 to i32
      %cond3A_96 = arith.constant 0 : i32
      %cond3A_97 = arith.cmpi ne, %convert_element_type3A_95, %cond3A_96 : i32
      scf.if %cond3A_97 {
        %dma_wait3A_117 = arith.constant 0 : i32
        %dma_wait3A_118 = tpu.memref_slice %arg8[%add3A_84, %dma_wait3A_117] : memref<125x80xi32, #tpu.memory_space<vmem>> -> memref<1x80xi32, #tpu.memory_space<vmem>>
        %dma_wait3A_119 = tpu.memref_squeeze %dma_wait3A_118 : memref<1x80xi32, #tpu.memory_space<vmem>> -> memref<80xi32, #tpu.memory_space<vmem>>
        %dma_wait3A_120 = arith.constant 0 : i32
        %dma_wait3A_121 = arith.constant 0 : i32
        %dma_wait3A_122 = tpu.memref_slice %arg7[%dma_wait3A_120, %dma_wait3A_121] : memref<10240x128xf32, #tpu.memory_space<vmem_shared>> -> memref<10240x128xf32, #tpu.memory_space<vmem_shared>>
        tpu.wait_indirect_dma semaphore(%arg17 : memref<!tpu.dma_semaphore, #tpu.memory_space<semaphore_mem>>) src(%arg11 : memref<80x128xf32, #tpu.memory_space<vmem>>) dst(%dma_wait3A_122 : memref<10240x128xf32, #tpu.memory_space<vmem_shared>>)
      } else {
      }
      %dma_start3A_98 = arith.constant 0 : i32
      %dma_start3A_99 = arith.constant 0 : i32
      %dma_start3A_100 = tpu.memref_slice %arg2[%dma_start3A_98, %dma_start3A_99] : memref<10000x128xf32, #tpu.memory_space<hbm>> -> memref<10000x128xf32, #tpu.memory_space<hbm>>
      tpu.enqueue_indirect_dma source(%dma_start3A_100 : memref<10000x128xf32, #tpu.memory_space<hbm>>) target(%arg11 : memref<80x128xf32, #tpu.memory_space<vmem>>) offsets(%arg9 : memref<80xi32, #tpu.memory_space<vmem>>) semaphore(%arg15 : memref<!tpu.dma_semaphore, #tpu.memory_space<semaphore_mem>>)
      %dma_wait3A_101 = arith.constant 0 : i32
      %dma_wait3A_102 = arith.constant 0 : i32
      %dma_wait3A_103 = tpu.memref_slice %arg2[%dma_wait3A_101, %dma_wait3A_102] : memref<10000x128xf32, #tpu.memory_space<hbm>> -> memref<10000x128xf32, #tpu.memory_space<hbm>>
      tpu.wait_indirect_dma semaphore(%arg16 : memref<!tpu.dma_semaphore, #tpu.memory_space<semaphore_mem>>) src(%dma_wait3A_103 : memref<10000x128xf32, #tpu.memory_space<hbm>>) dst(%arg12 : memref<80x128xf32, #tpu.memory_space<vmem>>)
      %dma_start3A_104 = arith.constant 0 : i32
      %dma_start3A_105 = tpu.memref_slice %arg8[%add3A_84, %dma_start3A_104] : memref<125x80xi32, #tpu.memory_space<vmem>> -> memref<1x80xi32, #tpu.memory_space<vmem>>
      %dma_start3A_106 = tpu.memref_squeeze %dma_start3A_105 : memref<1x80xi32, #tpu.memory_space<vmem>> -> memref<80xi32, #tpu.memory_space<vmem>>
      %dma_start3A_107 = arith.constant 0 : i32
      %dma_start3A_108 = arith.constant 0 : i32
      %dma_start3A_109 = tpu.memref_slice %arg7[%dma_start3A_107, %dma_start3A_108] : memref<10240x128xf32, #tpu.memory_space<vmem_shared>> -> memref<10240x128xf32, #tpu.memory_space<vmem_shared>>
      tpu.enqueue_indirect_dma source(%arg12 : memref<80x128xf32, #tpu.memory_space<vmem>>) target(%dma_start3A_109 : memref<10240x128xf32, #tpu.memory_space<vmem_shared>>) offsets(%dma_start3A_106 : memref<80xi32, #tpu.memory_space<vmem>>) semaphore(%arg18 : memref<!tpu.dma_semaphore, #tpu.memory_space<semaphore_mem>>) {add = true}
      %add3A_110 = arith.constant 2 : i32
      %add3A_111 = arith.addi %add3A_84, %add3A_110 : i32
      %lt3A_112 = arith.constant 125 : i32
      %lt3A_113 = arith.cmpi slt, %add3A_111, %lt3A_112 : i32
      %convert_element_type3A_114 = arith.extui %lt3A_113 : i1 to i32
      %cond3A_115 = arith.constant 0 : i32
      %cond3A_116 = arith.cmpi ne, %convert_element_type3A_114, %cond3A_115 : i32
      scf.if %cond3A_116 {
        %add3A_117 = arith.constant 2 : i32
        %add3A_118 = arith.addi %add3A_84, %add3A_117 : i32
        %dma_start3A_119 = arith.constant 0 : i32
        %dma_start3A_120 = tpu.memref_slice %arg3[%add3A, %add3A_118, %dma_start3A_119] : memref<32x125x80xi32, #tpu.memory_space<hbm>> -> memref<1x1x80xi32, #tpu.memory_space<hbm>>
        %dma_start3A_121 = tpu.memref_squeeze %dma_start3A_120 : memref<1x1x80xi32, #tpu.memory_space<hbm>> -> memref<80xi32, #tpu.memory_space<hbm>>
        %dma_start3A_122 = arith.constant 0 : i32
        %dma_start3A_123 = tpu.memref_slice %arg3[%add3A, %add3A_118, %dma_start3A_122] : memref<32x125x80xi32, #tpu.memory_space<hbm>> -> memref<1x1x80xi32, #tpu.memory_space<hbm>>
        %dma_start3A_124 = tpu.memref_squeeze %dma_start3A_123 : memref<1x1x80xi32, #tpu.memory_space<hbm>> -> memref<80xi32, #tpu.memory_space<hbm>>
        tpu.enqueue_dma source(%dma_start3A_124 : memref<80xi32, #tpu.memory_space<hbm>>) target(%arg10 : memref<80xi32, #tpu.memory_space<vmem>>) target_semaphore(%arg14 : memref<!tpu.dma_semaphore, #tpu.memory_space<semaphore_mem>>)
      } else {
      }
    }
    %scan3A_39 = arith.constant 62 : i32
    %dma_wait3A_40 = arith.constant 0 : i32
    %dma_wait3A_41 = arith.constant 0 : i32
    %dma_wait3A_42 = tpu.memref_slice %arg2[%dma_wait3A_40, %dma_wait3A_41] : memref<10000x128xf32, #tpu.memory_space<hbm>> -> memref<10000x128xf32, #tpu.memory_space<hbm>>
    tpu.wait_indirect_dma semaphore(%arg15 : memref<!tpu.dma_semaphore, #tpu.memory_space<semaphore_mem>>) src(%dma_wait3A_42 : memref<10000x128xf32, #tpu.memory_space<hbm>>) dst(%arg11 : memref<80x128xf32, #tpu.memory_space<vmem>>)
    %run_scoped3A_43 = arith.constant 124 : i32
    "tpu.region"() ({
      %run_scoped3A_52 = tpu.sem_alloc : memref<!tpu.dma_semaphore, #tpu.memory_space<semaphore_mem>>
      %dma_start3A_53 = arith.constant 0 : i32
      %dma_start3A_54 = tpu.memref_slice %arg8[%run_scoped3A_43, %dma_start3A_53] : memref<125x80xi32, #tpu.memory_space<vmem>> -> memref<1x80xi32, #tpu.memory_space<vmem>>
      %dma_start3A_55 = tpu.memref_squeeze %dma_start3A_54 : memref<1x80xi32, #tpu.memory_space<vmem>> -> memref<80xi32, #tpu.memory_space<vmem>>
      %dma_start3A_56 = arith.constant 0 : i32
      %dma_start3A_57 = arith.constant 0 : i32
      %dma_start3A_58 = tpu.memref_slice %arg7[%dma_start3A_56, %dma_start3A_57] : memref<10240x128xf32, #tpu.memory_space<vmem_shared>> -> memref<10240x128xf32, #tpu.memory_space<vmem_shared>>
      tpu.enqueue_indirect_dma source(%arg11 : memref<80x128xf32, #tpu.memory_space<vmem>>) target(%dma_start3A_58 : memref<10240x128xf32, #tpu.memory_space<vmem_shared>>) offsets(%dma_start3A_55 : memref<80xi32, #tpu.memory_space<vmem>>) semaphore(%run_scoped3A_52 : memref<!tpu.dma_semaphore, #tpu.memory_space<semaphore_mem>>) {add = true}
      %dma_wait3A_59 = arith.constant 0 : i32
      %dma_wait3A_60 = tpu.memref_slice %arg8[%run_scoped3A_43, %dma_wait3A_59] : memref<125x80xi32, #tpu.memory_space<vmem>> -> memref<1x80xi32, #tpu.memory_space<vmem>>
      %dma_wait3A_61 = tpu.memref_squeeze %dma_wait3A_60 : memref<1x80xi32, #tpu.memory_space<vmem>> -> memref<80xi32, #tpu.memory_space<vmem>>
      %dma_wait3A_62 = arith.constant 0 : i32
      %dma_wait3A_63 = arith.constant 0 : i32
      %dma_wait3A_64 = tpu.memref_slice %arg7[%dma_wait3A_62, %dma_wait3A_63] : memref<10240x128xf32, #tpu.memory_space<vmem_shared>> -> memref<10240x128xf32, #tpu.memory_space<vmem_shared>>
      tpu.wait_indirect_dma semaphore(%run_scoped3A_52 : memref<!tpu.dma_semaphore, #tpu.memory_space<semaphore_mem>>) src(%arg11 : memref<80x128xf32, #tpu.memory_space<vmem>>) dst(%dma_wait3A_64 : memref<10240x128xf32, #tpu.memory_space<vmem_shared>>)
      tpu.yield
    }) : () -> ()
    %dma_wait3A_44 = arith.constant 123 : i32
    %dma_wait3A_45 = arith.constant 0 : i32
    %dma_wait3A_46 = tpu.memref_slice %arg8[%dma_wait3A_44, %dma_wait3A_45] : memref<125x80xi32, #tpu.memory_space<vmem>> -> memref<1x80xi32, #tpu.memory_space<vmem>>
    %dma_wait3A_47 = tpu.memref_squeeze %dma_wait3A_46 : memref<1x80xi32, #tpu.memory_space<vmem>> -> memref<80xi32, #tpu.memory_space<vmem>>
    %dma_wait3A_48 = arith.constant 0 : i32
    %dma_wait3A_49 = arith.constant 0 : i32
    %dma_wait3A_50 = tpu.memref_slice %arg7[%dma_wait3A_48, %dma_wait3A_49] : memref<10240x128xf32, #tpu.memory_space<vmem_shared>> -> memref<10240x128xf32, #tpu.memory_space<vmem_shared>>
    tpu.wait_indirect_dma semaphore(%arg18 : memref<!tpu.dma_semaphore, #tpu.memory_space<semaphore_mem>>) src(%arg12 : memref<80x128xf32, #tpu.memory_space<vmem>>) dst(%dma_wait3A_50 : memref<10240x128xf32, #tpu.memory_space<vmem_shared>>)
    %barrier3A_51 = arith.constant 0 : index
    tpu.barrier barrier_id(%barrier3A_51)
    "tpu.region"() ({
      %run_scoped3A_52 = tpu.sem_alloc : memref<!tpu.dma_semaphore, #tpu.memory_space<semaphore_mem>>
      %dma_start3A_53 = arith.constant 0 : i32
      %dma_start3A_54 = tpu.memref_slice %arg6[%arg0, %mul3A_0, %dma_start3A_53] : memref<2x10240x128xf32, #tpu.memory_space<hbm>> -> memref<1x640x128xf32, #tpu.memory_space<hbm>>
      %dma_start3A_55 = tpu.memref_squeeze %dma_start3A_54 : memref<1x640x128xf32, #tpu.memory_space<hbm>> -> memref<640x128xf32, #tpu.memory_space<hbm>>
      %dma_start3A_56 = arith.constant 0 : i32
      %dma_start3A_57 = tpu.memref_slice %arg7[%mul3A_0, %dma_start3A_56] : memref<10240x128xf32, #tpu.memory_space<vmem_shared>> -> memref<640x128xf32, #tpu.memory_space<vmem_shared>>
      tpu.enqueue_dma source(%dma_start3A_57 : memref<640x128xf32, #tpu.memory_space<vmem_shared>>) target(%dma_start3A_55 : memref<640x128xf32, #tpu.memory_space<hbm>>) target_semaphore(%run_scoped3A_52 : memref<!tpu.dma_semaphore, #tpu.memory_space<semaphore_mem>>)
      %dma_wait3A_58 = arith.constant 0 : i32
      %dma_wait3A_59 = tpu.memref_slice %arg6[%arg0, %mul3A_0, %dma_wait3A_58] : memref<2x10240x128xf32, #tpu.memory_space<hbm>> -> memref<1x640x128xf32, #tpu.memory_space<hbm>>
      %dma_wait3A_60 = tpu.memref_squeeze %dma_wait3A_59 : memref<1x640x128xf32, #tpu.memory_space<hbm>> -> memref<640x128xf32, #tpu.memory_space<hbm>>
      %dma_wait3A_61 = arith.constant 0 : i32
      %dma_wait3A_62 = tpu.memref_slice %arg7[%mul3A_0, %dma_wait3A_61] : memref<10240x128xf32, #tpu.memory_space<vmem_shared>> -> memref<640x128xf32, #tpu.memory_space<vmem_shared>>
      tpu.wait_dma2 semaphore(%run_scoped3A_52 : memref<!tpu.dma_semaphore, #tpu.memory_space<semaphore_mem>>) src(%dma_wait3A_62 : memref<640x128xf32, #tpu.memory_space<vmem_shared>>) dst(%dma_wait3A_60 : memref<640x128xf32, #tpu.memory_space<hbm>>)
      tpu.yield
    }) : () -> ()
    return
  }
}

#map = affine_map<(d0, d1) -> (0, 0)>
#map1 = affine_map<(d0, d1) -> (0, 0, 0)>
module attributes {stable_mosaic.version = 14 : i64} {
  func.func @_agg_kernel(%arg0: i32, %arg1: i32, %arg2: memref<10000x128xf32, #tpu.memory_space<hbm>>, %arg3: memref<32x125x80xi32, #tpu.memory_space<hbm>>, %arg4: memref<32x125x80xi32, #tpu.memory_space<hbm>>, %arg5: memref<10240x128xf32, #tpu.memory_space<hbm>>, %arg6: memref<2x10240x128xf32, #tpu.memory_space<hbm>>, %arg7: memref<10240x128xf32, #tpu.memory_space<vmem_shared>>, %arg8: memref<125x80xi32, #tpu.memory_space<vmem>>, %arg9: memref<80xi32, #tpu.memory_space<vmem>>, %arg10: memref<80xi32, #tpu.memory_space<vmem>>, %arg11: memref<80x128xf32, #tpu.memory_space<vmem>>, %arg12: memref<80x128xf32, #tpu.memory_space<vmem>>, %arg13: memref<!tpu.dma_semaphore, #tpu.memory_space<semaphore_mem>>, %arg14: memref<!tpu.dma_semaphore, #tpu.memory_space<semaphore_mem>>, %arg15: memref<!tpu.dma_semaphore, #tpu.memory_space<semaphore_mem>>, %arg16: memref<!tpu.dma_semaphore, #tpu.memory_space<semaphore_mem>>, %arg17: memref<!tpu.dma_semaphore, #tpu.memory_space<semaphore_mem>>, %arg18: memref<!tpu.dma_semaphore, #tpu.memory_space<semaphore_mem>>) attributes {dimension_semantics = [#tpu.dimension_semantics<core_parallel>, #tpu.dimension_semantics<subcore_parallel>], iteration_bounds = array<i64: 2, 16>, scalar_prefetch = 0 : i64, scratch_operands = 12 : i64, tpu.core_type = #tpu.core_type<sc_vector_subcore>, window_params = [{transform_indices = #map}, {transform_indices = #map1}, {transform_indices = #map1}, {transform_indices = #map}, {transform_indices = #map1}]} {
    %mul3A = arith.constant 640 : i32
    %mul3A_0 = arith.muli %arg1, %mul3A : i32
    %mul3A_1 = arith.constant 16 : i32
    %mul3A_2 = arith.muli %arg0, %mul3A_1 : i32
    %add3A = arith.addi %mul3A_2, %arg1 : i32
    %dma_start3A = arith.constant 0 : i32
    %dma_start3A_3 = arith.constant 0 : i32
    %dma_start3A_4 = tpu.memref_slice %arg4[%add3A, %dma_start3A, %dma_start3A_3] : memref<32x125x80xi32, #tpu.memory_space<hbm>> -> memref<1x125x80xi32, #tpu.memory_space<hbm>>
    %dma_start3A_5 = tpu.memref_squeeze %dma_start3A_4 : memref<1x125x80xi32, #tpu.memory_space<hbm>> -> memref<125x80xi32, #tpu.memory_space<hbm>>
    %dma_start3A_6 = arith.constant 0 : i32
    %dma_start3A_7 = arith.constant 0 : i32
    %dma_start3A_8 = tpu.memref_slice %arg4[%add3A, %dma_start3A_6, %dma_start3A_7] : memref<32x125x80xi32, #tpu.memory_space<hbm>> -> memref<1x125x80xi32, #tpu.memory_space<hbm>>
    %dma_start3A_9 = tpu.memref_squeeze %dma_start3A_8 : memref<1x125x80xi32, #tpu.memory_space<hbm>> -> memref<125x80xi32, #tpu.memory_space<hbm>>
    tpu.enqueue_dma source(%dma_start3A_9 : memref<125x80xi32, #tpu.memory_space<hbm>>) target(%arg8 : memref<125x80xi32, #tpu.memory_space<vmem>>) target_semaphore(%arg15 : memref<!tpu.dma_semaphore, #tpu.memory_space<semaphore_mem>>)
    %dma_start3A_10 = arith.constant 0 : i32
    %dma_start3A_11 = tpu.memref_slice %arg7[%mul3A_0, %dma_start3A_10] : memref<10240x128xf32, #tpu.memory_space<vmem_shared>> -> memref<640x128xf32, #tpu.memory_space<vmem_shared>>
    %dma_start3A_12 = arith.constant 0 : i32
    %dma_start3A_13 = tpu.memref_slice %arg5[%mul3A_0, %dma_start3A_12] : memref<10240x128xf32, #tpu.memory_space<hbm>> -> memref<640x128xf32, #tpu.memory_space<hbm>>
    tpu.enqueue_dma source(%dma_start3A_13 : memref<640x128xf32, #tpu.memory_space<hbm>>) target(%dma_start3A_11 : memref<640x128xf32, #tpu.memory_space<vmem_shared>>) target_semaphore(%arg16 : memref<!tpu.dma_semaphore, #tpu.memory_space<semaphore_mem>>)
    %dma_wait3A = arith.constant 0 : i32
    %dma_wait3A_14 = arith.constant 0 : i32
    %dma_wait3A_15 = tpu.memref_slice %arg4[%add3A, %dma_wait3A, %dma_wait3A_14] : memref<32x125x80xi32, #tpu.memory_space<hbm>> -> memref<1x125x80xi32, #tpu.memory_space<hbm>>
    %dma_wait3A_16 = tpu.memref_squeeze %dma_wait3A_15 : memref<1x125x80xi32, #tpu.memory_space<hbm>> -> memref<125x80xi32, #tpu.memory_space<hbm>>
    %dma_wait3A_17 = arith.constant 0 : i32
    %dma_wait3A_18 = arith.constant 0 : i32
    %dma_wait3A_19 = tpu.memref_slice %arg4[%add3A, %dma_wait3A_17, %dma_wait3A_18] : memref<32x125x80xi32, #tpu.memory_space<hbm>> -> memref<1x125x80xi32, #tpu.memory_space<hbm>>
    %dma_wait3A_20 = tpu.memref_squeeze %dma_wait3A_19 : memref<1x125x80xi32, #tpu.memory_space<hbm>> -> memref<125x80xi32, #tpu.memory_space<hbm>>
    tpu.wait_dma2 semaphore(%arg15 : memref<!tpu.dma_semaphore, #tpu.memory_space<semaphore_mem>>) src(%dma_wait3A_20 : memref<125x80xi32, #tpu.memory_space<hbm>>) dst(%arg8 : memref<125x80xi32, #tpu.memory_space<vmem>>)
    %dma_wait3A_21 = arith.constant 0 : i32
    %dma_wait3A_22 = tpu.memref_slice %arg7[%mul3A_0, %dma_wait3A_21] : memref<10240x128xf32, #tpu.memory_space<vmem_shared>> -> memref<640x128xf32, #tpu.memory_space<vmem_shared>>
    %dma_wait3A_23 = arith.constant 0 : i32
    %dma_wait3A_24 = tpu.memref_slice %arg5[%mul3A_0, %dma_wait3A_23] : memref<10240x128xf32, #tpu.memory_space<hbm>> -> memref<640x128xf32, #tpu.memory_space<hbm>>
    tpu.wait_dma2 semaphore(%arg16 : memref<!tpu.dma_semaphore, #tpu.memory_space<semaphore_mem>>) src(%dma_wait3A_24 : memref<640x128xf32, #tpu.memory_space<hbm>>) dst(%dma_wait3A_22 : memref<640x128xf32, #tpu.memory_space<vmem_shared>>)
    %barrier3A = arith.constant 0 : index
    tpu.barrier barrier_id(%barrier3A)
    %run_scoped3A = arith.constant 0 : i32
    "tpu.region"() ({
      %run_scoped3A_52 = tpu.sem_alloc : memref<!tpu.dma_semaphore, #tpu.memory_space<semaphore_mem>>
      %dma_start3A_53 = arith.constant 0 : i32
      %dma_start3A_54 = tpu.memref_slice %arg3[%add3A, %run_scoped3A, %dma_start3A_53] : memref<32x125x80xi32, #tpu.memory_space<hbm>> -> memref<1x1x80xi32, #tpu.memory_space<hbm>>
      %dma_start3A_55 = tpu.memref_squeeze %dma_start3A_54 : memref<1x1x80xi32, #tpu.memory_space<hbm>> -> memref<80xi32, #tpu.memory_space<hbm>>
      %dma_start3A_56 = arith.constant 0 : i32
      %dma_start3A_57 = tpu.memref_slice %arg3[%add3A, %run_scoped3A, %dma_start3A_56] : memref<32x125x80xi32, #tpu.memory_space<hbm>> -> memref<1x1x80xi32, #tpu.memory_space<hbm>>
      %dma_start3A_58 = tpu.memref_squeeze %dma_start3A_57 : memref<1x1x80xi32, #tpu.memory_space<hbm>> -> memref<80xi32, #tpu.memory_space<hbm>>
      tpu.enqueue_dma source(%dma_start3A_58 : memref<80xi32, #tpu.memory_space<hbm>>) target(%arg9 : memref<80xi32, #tpu.memory_space<vmem>>) target_semaphore(%run_scoped3A_52 : memref<!tpu.dma_semaphore, #tpu.memory_space<semaphore_mem>>)
      %dma_wait3A_59 = arith.constant 0 : i32
      %dma_wait3A_60 = tpu.memref_slice %arg3[%add3A, %run_scoped3A, %dma_wait3A_59] : memref<32x125x80xi32, #tpu.memory_space<hbm>> -> memref<1x1x80xi32, #tpu.memory_space<hbm>>
      %dma_wait3A_61 = tpu.memref_squeeze %dma_wait3A_60 : memref<1x1x80xi32, #tpu.memory_space<hbm>> -> memref<80xi32, #tpu.memory_space<hbm>>
      %dma_wait3A_62 = arith.constant 0 : i32
      %dma_wait3A_63 = tpu.memref_slice %arg3[%add3A, %run_scoped3A, %dma_wait3A_62] : memref<32x125x80xi32, #tpu.memory_space<hbm>> -> memref<1x1x80xi32, #tpu.memory_space<hbm>>
      %dma_wait3A_64 = tpu.memref_squeeze %dma_wait3A_63 : memref<1x1x80xi32, #tpu.memory_space<hbm>> -> memref<80xi32, #tpu.memory_space<hbm>>
      tpu.wait_dma2 semaphore(%run_scoped3A_52 : memref<!tpu.dma_semaphore, #tpu.memory_space<semaphore_mem>>) src(%dma_wait3A_64 : memref<80xi32, #tpu.memory_space<hbm>>) dst(%arg9 : memref<80xi32, #tpu.memory_space<vmem>>)
      tpu.yield
    }) : () -> ()
    %dma_start3A_25 = arith.constant 0 : i32
    %dma_start3A_26 = arith.constant 0 : i32
    %dma_start3A_27 = tpu.memref_slice %arg2[%dma_start3A_25, %dma_start3A_26] : memref<10000x128xf32, #tpu.memory_space<hbm>> -> memref<10000x128xf32, #tpu.memory_space<hbm>>
    tpu.enqueue_indirect_dma source(%dma_start3A_27 : memref<10000x128xf32, #tpu.memory_space<hbm>>) target(%arg11 : memref<80x128xf32, #tpu.memory_space<vmem>>) offsets(%arg9 : memref<80xi32, #tpu.memory_space<vmem>>) semaphore(%arg15 : memref<!tpu.dma_semaphore, #tpu.memory_space<semaphore_mem>>)
    %dma_start3A_28 = arith.constant 1 : i32
    %dma_start3A_29 = arith.constant 0 : i32
    %dma_start3A_30 = tpu.memref_slice %arg3[%add3A, %dma_start3A_28, %dma_start3A_29] : memref<32x125x80xi32, #tpu.memory_space<hbm>> -> memref<1x1x80xi32, #tpu.memory_space<hbm>>
    %dma_start3A_31 = tpu.memref_squeeze %dma_start3A_30 : memref<1x1x80xi32, #tpu.memory_space<hbm>> -> memref<80xi32, #tpu.memory_space<hbm>>
    %dma_start3A_32 = arith.constant 0 : i32
    %dma_start3A_33 = tpu.memref_slice %arg3[%add3A, %dma_start3A_28, %dma_start3A_32] : memref<32x125x80xi32, #tpu.memory_space<hbm>> -> memref<1x1x80xi32, #tpu.memory_space<hbm>>
    %dma_start3A_34 = tpu.memref_squeeze %dma_start3A_33 : memref<1x1x80xi32, #tpu.memory_space<hbm>> -> memref<80xi32, #tpu.memory_space<hbm>>
    tpu.enqueue_dma source(%dma_start3A_34 : memref<80xi32, #tpu.memory_space<hbm>>) target(%arg10 : memref<80xi32, #tpu.memory_space<vmem>>) target_semaphore(%arg14 : memref<!tpu.dma_semaphore, #tpu.memory_space<semaphore_mem>>)
    %scan3A = arith.constant 0 : i32
    %scan3A_35 = arith.constant 0 : i32
    %scan3A_36 = arith.constant 62 : i32
    %scan3A_37 = arith.addi %scan3A_35, %scan3A_36 : i32
    %scan3A_38 = arith.constant 1 : i32
    scf.for %scan3A_52 = %scan3A_35 to %scan3A_37 step %scan3A_38  : i32 {
      %mul3A_53 = arith.constant 2 : i32
      %mul3A_54 = arith.muli %mul3A_53, %scan3A_52 : i32
      %add3A_55 = arith.constant 1 : i32
      %add3A_56 = arith.addi %mul3A_54, %add3A_55 : i32
      %dma_wait3A_57 = arith.constant 0 : i32
      %dma_wait3A_58 = tpu.memref_slice %arg3[%add3A, %add3A_56, %dma_wait3A_57] : memref<32x125x80xi32, #tpu.memory_space<hbm>> -> memref<1x1x80xi32, #tpu.memory_space<hbm>>
      %dma_wait3A_59 = tpu.memref_squeeze %dma_wait3A_58 : memref<1x1x80xi32, #tpu.memory_space<hbm>> -> memref<80xi32, #tpu.memory_space<hbm>>
      %dma_wait3A_60 = arith.constant 0 : i32
      %dma_wait3A_61 = tpu.memref_slice %arg3[%add3A, %add3A_56, %dma_wait3A_60] : memref<32x125x80xi32, #tpu.memory_space<hbm>> -> memref<1x1x80xi32, #tpu.memory_space<hbm>>
      %dma_wait3A_62 = tpu.memref_squeeze %dma_wait3A_61 : memref<1x1x80xi32, #tpu.memory_space<hbm>> -> memref<80xi32, #tpu.memory_space<hbm>>
      tpu.wait_dma2 semaphore(%arg14 : memref<!tpu.dma_semaphore, #tpu.memory_space<semaphore_mem>>) src(%dma_wait3A_62 : memref<80xi32, #tpu.memory_space<hbm>>) dst(%arg10 : memref<80xi32, #tpu.memory_space<vmem>>)
      %ge3A = arith.constant 1 : i32
      %ge3A_63 = arith.cmpi sge, %mul3A_54, %ge3A : i32
      %convert_element_type3A = arith.extui %ge3A_63 : i1 to i32
      %cond3A = arith.constant 0 : i32
      %cond3A_64 = arith.cmpi ne, %convert_element_type3A, %cond3A : i32
      scf.if %cond3A_64 {
        %dma_wait3A_117 = arith.constant 0 : i32
        %dma_wait3A_118 = tpu.memref_slice %arg8[%mul3A_54, %dma_wait3A_117] : memref<125x80xi32, #tpu.memory_space<vmem>> -> memref<1x80xi32, #tpu.memory_space<vmem>>
        %dma_wait3A_119 = tpu.memref_squeeze %dma_wait3A_118 : memref<1x80xi32, #tpu.memory_space<vmem>> -> memref<80xi32, #tpu.memory_space<vmem>>
        %dma_wait3A_120 = arith.constant 0 : i32
        %dma_wait3A_121 = arith.constant 0 : i32
        %dma_wait3A_122 = tpu.memref_slice %arg7[%dma_wait3A_120, %dma_wait3A_121] : memref<10240x128xf32, #tpu.memory_space<vmem_shared>> -> memref<10240x128xf32, #tpu.memory_space<vmem_shared>>
        tpu.wait_indirect_dma semaphore(%arg18 : memref<!tpu.dma_semaphore, #tpu.memory_space<semaphore_mem>>) src(%arg12 : memref<80x128xf32, #tpu.memory_space<vmem>>) dst(%dma_wait3A_122 : memref<10240x128xf32, #tpu.memory_space<vmem_shared>>)
      } else {
      }
      %dma_start3A_65 = arith.constant 0 : i32
      %dma_start3A_66 = arith.constant 0 : i32
      %dma_start3A_67 = tpu.memref_slice %arg2[%dma_start3A_65, %dma_start3A_66] : memref<10000x128xf32, #tpu.memory_space<hbm>> -> memref<10000x128xf32, #tpu.memory_space<hbm>>
      tpu.enqueue_indirect_dma source(%dma_start3A_67 : memref<10000x128xf32, #tpu.memory_space<hbm>>) target(%arg12 : memref<80x128xf32, #tpu.memory_space<vmem>>) offsets(%arg10 : memref<80xi32, #tpu.memory_space<vmem>>) semaphore(%arg16 : memref<!tpu.dma_semaphore, #tpu.memory_space<semaphore_mem>>)
      %dma_wait3A_68 = arith.constant 0 : i32
      %dma_wait3A_69 = arith.constant 0 : i32
      %dma_wait3A_70 = tpu.memref_slice %arg2[%dma_wait3A_68, %dma_wait3A_69] : memref<10000x128xf32, #tpu.memory_space<hbm>> -> memref<10000x128xf32, #tpu.memory_space<hbm>>
      tpu.wait_indirect_dma semaphore(%arg15 : memref<!tpu.dma_semaphore, #tpu.memory_space<semaphore_mem>>) src(%dma_wait3A_70 : memref<10000x128xf32, #tpu.memory_space<hbm>>) dst(%arg11 : memref<80x128xf32, #tpu.memory_space<vmem>>)
      %dma_start3A_71 = arith.constant 0 : i32
      %dma_start3A_72 = tpu.memref_slice %arg8[%mul3A_54, %dma_start3A_71] : memref<125x80xi32, #tpu.memory_space<vmem>> -> memref<1x80xi32, #tpu.memory_space<vmem>>
      %dma_start3A_73 = tpu.memref_squeeze %dma_start3A_72 : memref<1x80xi32, #tpu.memory_space<vmem>> -> memref<80xi32, #tpu.memory_space<vmem>>
      %dma_start3A_74 = arith.constant 0 : i32
      %dma_start3A_75 = arith.constant 0 : i32
      %dma_start3A_76 = tpu.memref_slice %arg7[%dma_start3A_74, %dma_start3A_75] : memref<10240x128xf32, #tpu.memory_space<vmem_shared>> -> memref<10240x128xf32, #tpu.memory_space<vmem_shared>>
      tpu.enqueue_indirect_dma source(%arg11 : memref<80x128xf32, #tpu.memory_space<vmem>>) target(%dma_start3A_76 : memref<10240x128xf32, #tpu.memory_space<vmem_shared>>) offsets(%dma_start3A_73 : memref<80xi32, #tpu.memory_space<vmem>>) semaphore(%arg17 : memref<!tpu.dma_semaphore, #tpu.memory_space<semaphore_mem>>) {add = true}
      %add3A_77 = arith.constant 2 : i32
      %add3A_78 = arith.addi %mul3A_54, %add3A_77 : i32
      %lt3A = arith.constant 125 : i32
      %lt3A_79 = arith.cmpi slt, %add3A_78, %lt3A : i32
      %convert_element_type3A_80 = arith.extui %lt3A_79 : i1 to i32
      %cond3A_81 = arith.constant 0 : i32
      %cond3A_82 = arith.cmpi ne, %convert_element_type3A_80, %cond3A_81 : i32
      scf.if %cond3A_82 {
        %add3A_117 = arith.constant 2 : i32
        %add3A_118 = arith.addi %mul3A_54, %add3A_117 : i32
        %dma_start3A_119 = arith.constant 0 : i32
        %dma_start3A_120 = tpu.memref_slice %arg3[%add3A, %add3A_118, %dma_start3A_119] : memref<32x125x80xi32, #tpu.memory_space<hbm>> -> memref<1x1x80xi32, #tpu.memory_space<hbm>>
        %dma_start3A_121 = tpu.memref_squeeze %dma_start3A_120 : memref<1x1x80xi32, #tpu.memory_space<hbm>> -> memref<80xi32, #tpu.memory_space<hbm>>
        %dma_start3A_122 = arith.constant 0 : i32
        %dma_start3A_123 = tpu.memref_slice %arg3[%add3A, %add3A_118, %dma_start3A_122] : memref<32x125x80xi32, #tpu.memory_space<hbm>> -> memref<1x1x80xi32, #tpu.memory_space<hbm>>
        %dma_start3A_124 = tpu.memref_squeeze %dma_start3A_123 : memref<1x1x80xi32, #tpu.memory_space<hbm>> -> memref<80xi32, #tpu.memory_space<hbm>>
        tpu.enqueue_dma source(%dma_start3A_124 : memref<80xi32, #tpu.memory_space<hbm>>) target(%arg9 : memref<80xi32, #tpu.memory_space<vmem>>) target_semaphore(%arg13 : memref<!tpu.dma_semaphore, #tpu.memory_space<semaphore_mem>>)
      } else {
      }
      %add3A_83 = arith.constant 1 : i32
      %add3A_84 = arith.addi %mul3A_54, %add3A_83 : i32
      %add3A_85 = arith.constant 1 : i32
      %add3A_86 = arith.addi %add3A_84, %add3A_85 : i32
      %dma_wait3A_87 = arith.constant 0 : i32
      %dma_wait3A_88 = tpu.memref_slice %arg3[%add3A, %add3A_86, %dma_wait3A_87] : memref<32x125x80xi32, #tpu.memory_space<hbm>> -> memref<1x1x80xi32, #tpu.memory_space<hbm>>
      %dma_wait3A_89 = tpu.memref_squeeze %dma_wait3A_88 : memref<1x1x80xi32, #tpu.memory_space<hbm>> -> memref<80xi32, #tpu.memory_space<hbm>>
      %dma_wait3A_90 = arith.constant 0 : i32
      %dma_wait3A_91 = tpu.memref_slice %arg3[%add3A, %add3A_86, %dma_wait3A_90] : memref<32x125x80xi32, #tpu.memory_space<hbm>> -> memref<1x1x80xi32, #tpu.memory_space<hbm>>
      %dma_wait3A_92 = tpu.memref_squeeze %dma_wait3A_91 : memref<1x1x80xi32, #tpu.memory_space<hbm>> -> memref<80xi32, #tpu.memory_space<hbm>>
      tpu.wait_dma2 semaphore(%arg13 : memref<!tpu.dma_semaphore, #tpu.memory_space<semaphore_mem>>) src(%dma_wait3A_92 : memref<80xi32, #tpu.memory_space<hbm>>) dst(%arg9 : memref<80xi32, #tpu.memory_space<vmem>>)
      %ge3A_93 = arith.constant 1 : i32
      %ge3A_94 = arith.cmpi sge, %add3A_84, %ge3A_93 : i32
      %convert_element_type3A_95 = arith.extui %ge3A_94 : i1 to i32
      %cond3A_96 = arith.constant 0 : i32
      %cond3A_97 = arith.cmpi ne, %convert_element_type3A_95, %cond3A_96 : i32
      scf.if %cond3A_97 {
        %dma_wait3A_117 = arith.constant 0 : i32
        %dma_wait3A_118 = tpu.memref_slice %arg8[%add3A_84, %dma_wait3A_117] : memref<125x80xi32, #tpu.memory_space<vmem>> -> memref<1x80xi32, #tpu.memory_space<vmem>>
        %dma_wait3A_119 = tpu.memref_squeeze %dma_wait3A_118 : memref<1x80xi32, #tpu.memory_space<vmem>> -> memref<80xi32, #tpu.memory_space<vmem>>
        %dma_wait3A_120 = arith.constant 0 : i32
        %dma_wait3A_121 = arith.constant 0 : i32
        %dma_wait3A_122 = tpu.memref_slice %arg7[%dma_wait3A_120, %dma_wait3A_121] : memref<10240x128xf32, #tpu.memory_space<vmem_shared>> -> memref<10240x128xf32, #tpu.memory_space<vmem_shared>>
        tpu.wait_indirect_dma semaphore(%arg17 : memref<!tpu.dma_semaphore, #tpu.memory_space<semaphore_mem>>) src(%arg11 : memref<80x128xf32, #tpu.memory_space<vmem>>) dst(%dma_wait3A_122 : memref<10240x128xf32, #tpu.memory_space<vmem_shared>>)
      } else {
      }
      %dma_start3A_98 = arith.constant 0 : i32
      %dma_start3A_99 = arith.constant 0 : i32
      %dma_start3A_100 = tpu.memref_slice %arg2[%dma_start3A_98, %dma_start3A_99] : memref<10000x128xf32, #tpu.memory_space<hbm>> -> memref<10000x128xf32, #tpu.memory_space<hbm>>
      tpu.enqueue_indirect_dma source(%dma_start3A_100 : memref<10000x128xf32, #tpu.memory_space<hbm>>) target(%arg11 : memref<80x128xf32, #tpu.memory_space<vmem>>) offsets(%arg9 : memref<80xi32, #tpu.memory_space<vmem>>) semaphore(%arg15 : memref<!tpu.dma_semaphore, #tpu.memory_space<semaphore_mem>>)
      %dma_wait3A_101 = arith.constant 0 : i32
      %dma_wait3A_102 = arith.constant 0 : i32
      %dma_wait3A_103 = tpu.memref_slice %arg2[%dma_wait3A_101, %dma_wait3A_102] : memref<10000x128xf32, #tpu.memory_space<hbm>> -> memref<10000x128xf32, #tpu.memory_space<hbm>>
      tpu.wait_indirect_dma semaphore(%arg16 : memref<!tpu.dma_semaphore, #tpu.memory_space<semaphore_mem>>) src(%dma_wait3A_103 : memref<10000x128xf32, #tpu.memory_space<hbm>>) dst(%arg12 : memref<80x128xf32, #tpu.memory_space<vmem>>)
      %dma_start3A_104 = arith.constant 0 : i32
      %dma_start3A_105 = tpu.memref_slice %arg8[%add3A_84, %dma_start3A_104] : memref<125x80xi32, #tpu.memory_space<vmem>> -> memref<1x80xi32, #tpu.memory_space<vmem>>
      %dma_start3A_106 = tpu.memref_squeeze %dma_start3A_105 : memref<1x80xi32, #tpu.memory_space<vmem>> -> memref<80xi32, #tpu.memory_space<vmem>>
      %dma_start3A_107 = arith.constant 0 : i32
      %dma_start3A_108 = arith.constant 0 : i32
      %dma_start3A_109 = tpu.memref_slice %arg7[%dma_start3A_107, %dma_start3A_108] : memref<10240x128xf32, #tpu.memory_space<vmem_shared>> -> memref<10240x128xf32, #tpu.memory_space<vmem_shared>>
      tpu.enqueue_indirect_dma source(%arg12 : memref<80x128xf32, #tpu.memory_space<vmem>>) target(%dma_start3A_109 : memref<10240x128xf32, #tpu.memory_space<vmem_shared>>) offsets(%dma_start3A_106 : memref<80xi32, #tpu.memory_space<vmem>>) semaphore(%arg18 : memref<!tpu.dma_semaphore, #tpu.memory_space<semaphore_mem>>) {add = true}
      %add3A_110 = arith.constant 2 : i32
      %add3A_111 = arith.addi %add3A_84, %add3A_110 : i32
      %lt3A_112 = arith.constant 125 : i32
      %lt3A_113 = arith.cmpi slt, %add3A_111, %lt3A_112 : i32
      %convert_element_type3A_114 = arith.extui %lt3A_113 : i1 to i32
      %cond3A_115 = arith.constant 0 : i32
      %cond3A_116 = arith.cmpi ne, %convert_element_type3A_114, %cond3A_115 : i32
      scf.if %cond3A_116 {
        %add3A_117 = arith.constant 2 : i32
        %add3A_118 = arith.addi %add3A_84, %add3A_117 : i32
        %dma_start3A_119 = arith.constant 0 : i32
        %dma_start3A_120 = tpu.memref_slice %arg3[%add3A, %add3A_118, %dma_start3A_119] : memref<32x125x80xi32, #tpu.memory_space<hbm>> -> memref<1x1x80xi32, #tpu.memory_space<hbm>>
        %dma_start3A_121 = tpu.memref_squeeze %dma_start3A_120 : memref<1x1x80xi32, #tpu.memory_space<hbm>> -> memref<80xi32, #tpu.memory_space<hbm>>
        %dma_start3A_122 = arith.constant 0 : i32
        %dma_start3A_123 = tpu.memref_slice %arg3[%add3A, %add3A_118, %dma_start3A_122] : memref<32x125x80xi32, #tpu.memory_space<hbm>> -> memref<1x1x80xi32, #tpu.memory_space<hbm>>
        %dma_start3A_124 = tpu.memref_squeeze %dma_start3A_123 : memref<1x1x80xi32, #tpu.memory_space<hbm>> -> memref<80xi32, #tpu.memory_space<hbm>>
        tpu.enqueue_dma source(%dma_start3A_124 : memref<80xi32, #tpu.memory_space<hbm>>) target(%arg10 : memref<80xi32, #tpu.memory_space<vmem>>) target_semaphore(%arg14 : memref<!tpu.dma_semaphore, #tpu.memory_space<semaphore_mem>>)
      } else {
      }
    }
    %scan3A_39 = arith.constant 62 : i32
    %dma_wait3A_40 = arith.constant 0 : i32
    %dma_wait3A_41 = arith.constant 0 : i32
    %dma_wait3A_42 = tpu.memref_slice %arg2[%dma_wait3A_40, %dma_wait3A_41] : memref<10000x128xf32, #tpu.memory_space<hbm>> -> memref<10000x128xf32, #tpu.memory_space<hbm>>
    tpu.wait_indirect_dma semaphore(%arg15 : memref<!tpu.dma_semaphore, #tpu.memory_space<semaphore_mem>>) src(%dma_wait3A_42 : memref<10000x128xf32, #tpu.memory_space<hbm>>) dst(%arg11 : memref<80x128xf32, #tpu.memory_space<vmem>>)
    %run_scoped3A_43 = arith.constant 124 : i32
    "tpu.region"() ({
      %run_scoped3A_52 = tpu.sem_alloc : memref<!tpu.dma_semaphore, #tpu.memory_space<semaphore_mem>>
      %dma_start3A_53 = arith.constant 0 : i32
      %dma_start3A_54 = tpu.memref_slice %arg8[%run_scoped3A_43, %dma_start3A_53] : memref<125x80xi32, #tpu.memory_space<vmem>> -> memref<1x80xi32, #tpu.memory_space<vmem>>
      %dma_start3A_55 = tpu.memref_squeeze %dma_start3A_54 : memref<1x80xi32, #tpu.memory_space<vmem>> -> memref<80xi32, #tpu.memory_space<vmem>>
      %dma_start3A_56 = arith.constant 0 : i32
      %dma_start3A_57 = arith.constant 0 : i32
      %dma_start3A_58 = tpu.memref_slice %arg7[%dma_start3A_56, %dma_start3A_57] : memref<10240x128xf32, #tpu.memory_space<vmem_shared>> -> memref<10240x128xf32, #tpu.memory_space<vmem_shared>>
      tpu.enqueue_indirect_dma source(%arg11 : memref<80x128xf32, #tpu.memory_space<vmem>>) target(%dma_start3A_58 : memref<10240x128xf32, #tpu.memory_space<vmem_shared>>) offsets(%dma_start3A_55 : memref<80xi32, #tpu.memory_space<vmem>>) semaphore(%run_scoped3A_52 : memref<!tpu.dma_semaphore, #tpu.memory_space<semaphore_mem>>) {add = true}
      %dma_wait3A_59 = arith.constant 0 : i32
      %dma_wait3A_60 = tpu.memref_slice %arg8[%run_scoped3A_43, %dma_wait3A_59] : memref<125x80xi32, #tpu.memory_space<vmem>> -> memref<1x80xi32, #tpu.memory_space<vmem>>
      %dma_wait3A_61 = tpu.memref_squeeze %dma_wait3A_60 : memref<1x80xi32, #tpu.memory_space<vmem>> -> memref<80xi32, #tpu.memory_space<vmem>>
      %dma_wait3A_62 = arith.constant 0 : i32
      %dma_wait3A_63 = arith.constant 0 : i32
      %dma_wait3A_64 = tpu.memref_slice %arg7[%dma_wait3A_62, %dma_wait3A_63] : memref<10240x128xf32, #tpu.memory_space<vmem_shared>> -> memref<10240x128xf32, #tpu.memory_space<vmem_shared>>
      tpu.wait_indirect_dma semaphore(%run_scoped3A_52 : memref<!tpu.dma_semaphore, #tpu.memory_space<semaphore_mem>>) src(%arg11 : memref<80x128xf32, #tpu.memory_space<vmem>>) dst(%dma_wait3A_64 : memref<10240x128xf32, #tpu.memory_space<vmem_shared>>)
      tpu.yield
    }) : () -> ()
    %dma_wait3A_44 = arith.constant 123 : i32
    %dma_wait3A_45 = arith.constant 0 : i32
    %dma_wait3A_46 = tpu.memref_slice %arg8[%dma_wait3A_44, %dma_wait3A_45] : memref<125x80xi32, #tpu.memory_space<vmem>> -> memref<1x80xi32, #tpu.memory_space<vmem>>
    %dma_wait3A_47 = tpu.memref_squeeze %dma_wait3A_46 : memref<1x80xi32, #tpu.memory_space<vmem>> -> memref<80xi32, #tpu.memory_space<vmem>>
    %dma_wait3A_48 = arith.constant 0 : i32
    %dma_wait3A_49 = arith.constant 0 : i32
    %dma_wait3A_50 = tpu.memref_slice %arg7[%dma_wait3A_48, %dma_wait3A_49] : memref<10240x128xf32, #tpu.memory_space<vmem_shared>> -> memref<10240x128xf32, #tpu.memory_space<vmem_shared>>
    tpu.wait_indirect_dma semaphore(%arg18 : memref<!tpu.dma_semaphore, #tpu.memory_space<semaphore_mem>>) src(%arg12 : memref<80x128xf32, #tpu.memory_space<vmem>>) dst(%dma_wait3A_50 : memref<10240x128xf32, #tpu.memory_space<vmem_shared>>)
    %barrier3A_51 = arith.constant 0 : index
    tpu.barrier barrier_id(%barrier3A_51)
    "tpu.region"() ({
      %run_scoped3A_52 = tpu.sem_alloc : memref<!tpu.dma_semaphore, #tpu.memory_space<semaphore_mem>>
      %dma_start3A_53 = arith.constant 0 : i32
      %dma_start3A_54 = tpu.memref_slice %arg6[%arg0, %mul3A_0, %dma_start3A_53] : memref<2x10240x128xf32, #tpu.memory_space<hbm>> -> memref<1x640x128xf32, #tpu.memory_space<hbm>>
      %dma_start3A_55 = tpu.memref_squeeze %dma_start3A_54 : memref<1x640x128xf32, #tpu.memory_space<hbm>> -> memref<640x128xf32, #tpu.memory_space<hbm>>
      %dma_start3A_56 = arith.constant 0 : i32
      %dma_start3A_57 = tpu.memref_slice %arg7[%mul3A_0, %dma_start3A_56] : memref<10240x128xf32, #tpu.memory_space<vmem_shared>> -> memref<640x128xf32, #tpu.memory_space<vmem_shared>>
      tpu.enqueue_dma source(%dma_start3A_57 : memref<640x128xf32, #tpu.memory_space<vmem_shared>>) target(%dma_start3A_55 : memref<640x128xf32, #tpu.memory_space<hbm>>) target_semaphore(%run_scoped3A_52 : memref<!tpu.dma_semaphore, #tpu.memory_space<semaphore_mem>>)
      %dma_wait3A_58 = arith.constant 0 : i32
      %dma_wait3A_59 = tpu.memref_slice %arg6[%arg0, %mul3A_0, %dma_wait3A_58] : memref<2x10240x128xf32, #tpu.memory_space<hbm>> -> memref<1x640x128xf32, #tpu.memory_space<hbm>>
      %dma_wait3A_60 = tpu.memref_squeeze %dma_wait3A_59 : memref<1x640x128xf32, #tpu.memory_space<hbm>> -> memref<640x128xf32, #tpu.memory_space<hbm>>
      %dma_wait3A_61 = arith.constant 0 : i32
      %dma_wait3A_62 = tpu.memref_slice %arg7[%mul3A_0, %dma_wait3A_61] : memref<10240x128xf32, #tpu.memory_space<vmem_shared>> -> memref<640x128xf32, #tpu.memory_space<vmem_shared>>
      tpu.wait_dma2 semaphore(%run_scoped3A_52 : memref<!tpu.dma_semaphore, #tpu.memory_space<semaphore_mem>>) src(%dma_wait3A_62 : memref<640x128xf32, #tpu.memory_space<vmem_shared>>) dst(%dma_wait3A_60 : memref<640x128xf32, #tpu.memory_space<hbm>>)
      tpu.yield
    }) : () -> ()
    return
  }
}

#map = affine_map<(d0, d1) -> (0, 0)>
#map1 = affine_map<(d0, d1) -> (0, 0, 0)>
module attributes {stable_mosaic.version = 14 : i64} {
  func.func @_agg_kernel(%arg0: i32, %arg1: i32, %arg2: memref<10000x128xf32, #tpu.memory_space<hbm>>, %arg3: memref<32x125x80xi32, #tpu.memory_space<hbm>>, %arg4: memref<32x125x80xi32, #tpu.memory_space<hbm>>, %arg5: memref<10240x128xf32, #tpu.memory_space<hbm>>, %arg6: memref<2x10240x128xf32, #tpu.memory_space<hbm>>, %arg7: memref<10240x128xf32, #tpu.memory_space<vmem_shared>>, %arg8: memref<125x80xi32, #tpu.memory_space<vmem>>, %arg9: memref<80xi32, #tpu.memory_space<vmem>>, %arg10: memref<80xi32, #tpu.memory_space<vmem>>, %arg11: memref<80x128xf32, #tpu.memory_space<vmem>>, %arg12: memref<80x128xf32, #tpu.memory_space<vmem>>, %arg13: memref<!tpu.dma_semaphore, #tpu.memory_space<semaphore_mem>>, %arg14: memref<!tpu.dma_semaphore, #tpu.memory_space<semaphore_mem>>, %arg15: memref<!tpu.dma_semaphore, #tpu.memory_space<semaphore_mem>>, %arg16: memref<!tpu.dma_semaphore, #tpu.memory_space<semaphore_mem>>, %arg17: memref<!tpu.dma_semaphore, #tpu.memory_space<semaphore_mem>>, %arg18: memref<!tpu.dma_semaphore, #tpu.memory_space<semaphore_mem>>) attributes {dimension_semantics = [#tpu.dimension_semantics<core_parallel>, #tpu.dimension_semantics<subcore_parallel>], iteration_bounds = array<i64: 2, 16>, scalar_prefetch = 0 : i64, scratch_operands = 12 : i64, tpu.core_type = #tpu.core_type<sc_vector_subcore>, window_params = [{transform_indices = #map}, {transform_indices = #map1}, {transform_indices = #map1}, {transform_indices = #map}, {transform_indices = #map1}]} {
    %mul3A = arith.constant 640 : i32
    %mul3A_0 = arith.muli %arg1, %mul3A : i32
    %mul3A_1 = arith.constant 16 : i32
    %mul3A_2 = arith.muli %arg0, %mul3A_1 : i32
    %add3A = arith.addi %mul3A_2, %arg1 : i32
    %dma_start3A = arith.constant 0 : i32
    %dma_start3A_3 = arith.constant 0 : i32
    %dma_start3A_4 = tpu.memref_slice %arg4[%add3A, %dma_start3A, %dma_start3A_3] : memref<32x125x80xi32, #tpu.memory_space<hbm>> -> memref<1x125x80xi32, #tpu.memory_space<hbm>>
    %dma_start3A_5 = tpu.memref_squeeze %dma_start3A_4 : memref<1x125x80xi32, #tpu.memory_space<hbm>> -> memref<125x80xi32, #tpu.memory_space<hbm>>
    %dma_start3A_6 = arith.constant 0 : i32
    %dma_start3A_7 = arith.constant 0 : i32
    %dma_start3A_8 = tpu.memref_slice %arg4[%add3A, %dma_start3A_6, %dma_start3A_7] : memref<32x125x80xi32, #tpu.memory_space<hbm>> -> memref<1x125x80xi32, #tpu.memory_space<hbm>>
    %dma_start3A_9 = tpu.memref_squeeze %dma_start3A_8 : memref<1x125x80xi32, #tpu.memory_space<hbm>> -> memref<125x80xi32, #tpu.memory_space<hbm>>
    tpu.enqueue_dma source(%dma_start3A_9 : memref<125x80xi32, #tpu.memory_space<hbm>>) target(%arg8 : memref<125x80xi32, #tpu.memory_space<vmem>>) target_semaphore(%arg15 : memref<!tpu.dma_semaphore, #tpu.memory_space<semaphore_mem>>)
    %dma_start3A_10 = arith.constant 0 : i32
    %dma_start3A_11 = tpu.memref_slice %arg7[%mul3A_0, %dma_start3A_10] : memref<10240x128xf32, #tpu.memory_space<vmem_shared>> -> memref<640x128xf32, #tpu.memory_space<vmem_shared>>
    %dma_start3A_12 = arith.constant 0 : i32
    %dma_start3A_13 = tpu.memref_slice %arg5[%mul3A_0, %dma_start3A_12] : memref<10240x128xf32, #tpu.memory_space<hbm>> -> memref<640x128xf32, #tpu.memory_space<hbm>>
    tpu.enqueue_dma source(%dma_start3A_13 : memref<640x128xf32, #tpu.memory_space<hbm>>) target(%dma_start3A_11 : memref<640x128xf32, #tpu.memory_space<vmem_shared>>) target_semaphore(%arg16 : memref<!tpu.dma_semaphore, #tpu.memory_space<semaphore_mem>>)
    %dma_wait3A = arith.constant 0 : i32
    %dma_wait3A_14 = arith.constant 0 : i32
    %dma_wait3A_15 = tpu.memref_slice %arg4[%add3A, %dma_wait3A, %dma_wait3A_14] : memref<32x125x80xi32, #tpu.memory_space<hbm>> -> memref<1x125x80xi32, #tpu.memory_space<hbm>>
    %dma_wait3A_16 = tpu.memref_squeeze %dma_wait3A_15 : memref<1x125x80xi32, #tpu.memory_space<hbm>> -> memref<125x80xi32, #tpu.memory_space<hbm>>
    %dma_wait3A_17 = arith.constant 0 : i32
    %dma_wait3A_18 = arith.constant 0 : i32
    %dma_wait3A_19 = tpu.memref_slice %arg4[%add3A, %dma_wait3A_17, %dma_wait3A_18] : memref<32x125x80xi32, #tpu.memory_space<hbm>> -> memref<1x125x80xi32, #tpu.memory_space<hbm>>
    %dma_wait3A_20 = tpu.memref_squeeze %dma_wait3A_19 : memref<1x125x80xi32, #tpu.memory_space<hbm>> -> memref<125x80xi32, #tpu.memory_space<hbm>>
    tpu.wait_dma2 semaphore(%arg15 : memref<!tpu.dma_semaphore, #tpu.memory_space<semaphore_mem>>) src(%dma_wait3A_20 : memref<125x80xi32, #tpu.memory_space<hbm>>) dst(%arg8 : memref<125x80xi32, #tpu.memory_space<vmem>>)
    %dma_wait3A_21 = arith.constant 0 : i32
    %dma_wait3A_22 = tpu.memref_slice %arg7[%mul3A_0, %dma_wait3A_21] : memref<10240x128xf32, #tpu.memory_space<vmem_shared>> -> memref<640x128xf32, #tpu.memory_space<vmem_shared>>
    %dma_wait3A_23 = arith.constant 0 : i32
    %dma_wait3A_24 = tpu.memref_slice %arg5[%mul3A_0, %dma_wait3A_23] : memref<10240x128xf32, #tpu.memory_space<hbm>> -> memref<640x128xf32, #tpu.memory_space<hbm>>
    tpu.wait_dma2 semaphore(%arg16 : memref<!tpu.dma_semaphore, #tpu.memory_space<semaphore_mem>>) src(%dma_wait3A_24 : memref<640x128xf32, #tpu.memory_space<hbm>>) dst(%dma_wait3A_22 : memref<640x128xf32, #tpu.memory_space<vmem_shared>>)
    %barrier3A = arith.constant 0 : index
    tpu.barrier barrier_id(%barrier3A)
    %run_scoped3A = arith.constant 0 : i32
    "tpu.region"() ({
      %run_scoped3A_52 = tpu.sem_alloc : memref<!tpu.dma_semaphore, #tpu.memory_space<semaphore_mem>>
      %dma_start3A_53 = arith.constant 0 : i32
      %dma_start3A_54 = tpu.memref_slice %arg3[%add3A, %run_scoped3A, %dma_start3A_53] : memref<32x125x80xi32, #tpu.memory_space<hbm>> -> memref<1x1x80xi32, #tpu.memory_space<hbm>>
      %dma_start3A_55 = tpu.memref_squeeze %dma_start3A_54 : memref<1x1x80xi32, #tpu.memory_space<hbm>> -> memref<80xi32, #tpu.memory_space<hbm>>
      %dma_start3A_56 = arith.constant 0 : i32
      %dma_start3A_57 = tpu.memref_slice %arg3[%add3A, %run_scoped3A, %dma_start3A_56] : memref<32x125x80xi32, #tpu.memory_space<hbm>> -> memref<1x1x80xi32, #tpu.memory_space<hbm>>
      %dma_start3A_58 = tpu.memref_squeeze %dma_start3A_57 : memref<1x1x80xi32, #tpu.memory_space<hbm>> -> memref<80xi32, #tpu.memory_space<hbm>>
      tpu.enqueue_dma source(%dma_start3A_58 : memref<80xi32, #tpu.memory_space<hbm>>) target(%arg9 : memref<80xi32, #tpu.memory_space<vmem>>) target_semaphore(%run_scoped3A_52 : memref<!tpu.dma_semaphore, #tpu.memory_space<semaphore_mem>>)
      %dma_wait3A_59 = arith.constant 0 : i32
      %dma_wait3A_60 = tpu.memref_slice %arg3[%add3A, %run_scoped3A, %dma_wait3A_59] : memref<32x125x80xi32, #tpu.memory_space<hbm>> -> memref<1x1x80xi32, #tpu.memory_space<hbm>>
      %dma_wait3A_61 = tpu.memref_squeeze %dma_wait3A_60 : memref<1x1x80xi32, #tpu.memory_space<hbm>> -> memref<80xi32, #tpu.memory_space<hbm>>
      %dma_wait3A_62 = arith.constant 0 : i32
      %dma_wait3A_63 = tpu.memref_slice %arg3[%add3A, %run_scoped3A, %dma_wait3A_62] : memref<32x125x80xi32, #tpu.memory_space<hbm>> -> memref<1x1x80xi32, #tpu.memory_space<hbm>>
      %dma_wait3A_64 = tpu.memref_squeeze %dma_wait3A_63 : memref<1x1x80xi32, #tpu.memory_space<hbm>> -> memref<80xi32, #tpu.memory_space<hbm>>
      tpu.wait_dma2 semaphore(%run_scoped3A_52 : memref<!tpu.dma_semaphore, #tpu.memory_space<semaphore_mem>>) src(%dma_wait3A_64 : memref<80xi32, #tpu.memory_space<hbm>>) dst(%arg9 : memref<80xi32, #tpu.memory_space<vmem>>)
      tpu.yield
    }) : () -> ()
    %dma_start3A_25 = arith.constant 0 : i32
    %dma_start3A_26 = arith.constant 0 : i32
    %dma_start3A_27 = tpu.memref_slice %arg2[%dma_start3A_25, %dma_start3A_26] : memref<10000x128xf32, #tpu.memory_space<hbm>> -> memref<10000x128xf32, #tpu.memory_space<hbm>>
    tpu.enqueue_indirect_dma source(%dma_start3A_27 : memref<10000x128xf32, #tpu.memory_space<hbm>>) target(%arg11 : memref<80x128xf32, #tpu.memory_space<vmem>>) offsets(%arg9 : memref<80xi32, #tpu.memory_space<vmem>>) semaphore(%arg15 : memref<!tpu.dma_semaphore, #tpu.memory_space<semaphore_mem>>)
    %dma_start3A_28 = arith.constant 1 : i32
    %dma_start3A_29 = arith.constant 0 : i32
    %dma_start3A_30 = tpu.memref_slice %arg3[%add3A, %dma_start3A_28, %dma_start3A_29] : memref<32x125x80xi32, #tpu.memory_space<hbm>> -> memref<1x1x80xi32, #tpu.memory_space<hbm>>
    %dma_start3A_31 = tpu.memref_squeeze %dma_start3A_30 : memref<1x1x80xi32, #tpu.memory_space<hbm>> -> memref<80xi32, #tpu.memory_space<hbm>>
    %dma_start3A_32 = arith.constant 0 : i32
    %dma_start3A_33 = tpu.memref_slice %arg3[%add3A, %dma_start3A_28, %dma_start3A_32] : memref<32x125x80xi32, #tpu.memory_space<hbm>> -> memref<1x1x80xi32, #tpu.memory_space<hbm>>
    %dma_start3A_34 = tpu.memref_squeeze %dma_start3A_33 : memref<1x1x80xi32, #tpu.memory_space<hbm>> -> memref<80xi32, #tpu.memory_space<hbm>>
    tpu.enqueue_dma source(%dma_start3A_34 : memref<80xi32, #tpu.memory_space<hbm>>) target(%arg10 : memref<80xi32, #tpu.memory_space<vmem>>) target_semaphore(%arg14 : memref<!tpu.dma_semaphore, #tpu.memory_space<semaphore_mem>>)
    %scan3A = arith.constant 0 : i32
    %scan3A_35 = arith.constant 0 : i32
    %scan3A_36 = arith.constant 62 : i32
    %scan3A_37 = arith.addi %scan3A_35, %scan3A_36 : i32
    %scan3A_38 = arith.constant 1 : i32
    scf.for %scan3A_52 = %scan3A_35 to %scan3A_37 step %scan3A_38  : i32 {
      %mul3A_53 = arith.constant 2 : i32
      %mul3A_54 = arith.muli %mul3A_53, %scan3A_52 : i32
      %add3A_55 = arith.constant 1 : i32
      %add3A_56 = arith.addi %mul3A_54, %add3A_55 : i32
      %dma_wait3A_57 = arith.constant 0 : i32
      %dma_wait3A_58 = tpu.memref_slice %arg3[%add3A, %add3A_56, %dma_wait3A_57] : memref<32x125x80xi32, #tpu.memory_space<hbm>> -> memref<1x1x80xi32, #tpu.memory_space<hbm>>
      %dma_wait3A_59 = tpu.memref_squeeze %dma_wait3A_58 : memref<1x1x80xi32, #tpu.memory_space<hbm>> -> memref<80xi32, #tpu.memory_space<hbm>>
      %dma_wait3A_60 = arith.constant 0 : i32
      %dma_wait3A_61 = tpu.memref_slice %arg3[%add3A, %add3A_56, %dma_wait3A_60] : memref<32x125x80xi32, #tpu.memory_space<hbm>> -> memref<1x1x80xi32, #tpu.memory_space<hbm>>
      %dma_wait3A_62 = tpu.memref_squeeze %dma_wait3A_61 : memref<1x1x80xi32, #tpu.memory_space<hbm>> -> memref<80xi32, #tpu.memory_space<hbm>>
      tpu.wait_dma2 semaphore(%arg14 : memref<!tpu.dma_semaphore, #tpu.memory_space<semaphore_mem>>) src(%dma_wait3A_62 : memref<80xi32, #tpu.memory_space<hbm>>) dst(%arg10 : memref<80xi32, #tpu.memory_space<vmem>>)
      %ge3A = arith.constant 1 : i32
      %ge3A_63 = arith.cmpi sge, %mul3A_54, %ge3A : i32
      %convert_element_type3A = arith.extui %ge3A_63 : i1 to i32
      %cond3A = arith.constant 0 : i32
      %cond3A_64 = arith.cmpi ne, %convert_element_type3A, %cond3A : i32
      scf.if %cond3A_64 {
        %dma_wait3A_117 = arith.constant 0 : i32
        %dma_wait3A_118 = tpu.memref_slice %arg8[%mul3A_54, %dma_wait3A_117] : memref<125x80xi32, #tpu.memory_space<vmem>> -> memref<1x80xi32, #tpu.memory_space<vmem>>
        %dma_wait3A_119 = tpu.memref_squeeze %dma_wait3A_118 : memref<1x80xi32, #tpu.memory_space<vmem>> -> memref<80xi32, #tpu.memory_space<vmem>>
        %dma_wait3A_120 = arith.constant 0 : i32
        %dma_wait3A_121 = arith.constant 0 : i32
        %dma_wait3A_122 = tpu.memref_slice %arg7[%dma_wait3A_120, %dma_wait3A_121] : memref<10240x128xf32, #tpu.memory_space<vmem_shared>> -> memref<10240x128xf32, #tpu.memory_space<vmem_shared>>
        tpu.wait_indirect_dma semaphore(%arg18 : memref<!tpu.dma_semaphore, #tpu.memory_space<semaphore_mem>>) src(%arg12 : memref<80x128xf32, #tpu.memory_space<vmem>>) dst(%dma_wait3A_122 : memref<10240x128xf32, #tpu.memory_space<vmem_shared>>)
      } else {
      }
      %dma_start3A_65 = arith.constant 0 : i32
      %dma_start3A_66 = arith.constant 0 : i32
      %dma_start3A_67 = tpu.memref_slice %arg2[%dma_start3A_65, %dma_start3A_66] : memref<10000x128xf32, #tpu.memory_space<hbm>> -> memref<10000x128xf32, #tpu.memory_space<hbm>>
      tpu.enqueue_indirect_dma source(%dma_start3A_67 : memref<10000x128xf32, #tpu.memory_space<hbm>>) target(%arg12 : memref<80x128xf32, #tpu.memory_space<vmem>>) offsets(%arg10 : memref<80xi32, #tpu.memory_space<vmem>>) semaphore(%arg16 : memref<!tpu.dma_semaphore, #tpu.memory_space<semaphore_mem>>)
      %dma_wait3A_68 = arith.constant 0 : i32
      %dma_wait3A_69 = arith.constant 0 : i32
      %dma_wait3A_70 = tpu.memref_slice %arg2[%dma_wait3A_68, %dma_wait3A_69] : memref<10000x128xf32, #tpu.memory_space<hbm>> -> memref<10000x128xf32, #tpu.memory_space<hbm>>
      tpu.wait_indirect_dma semaphore(%arg15 : memref<!tpu.dma_semaphore, #tpu.memory_space<semaphore_mem>>) src(%dma_wait3A_70 : memref<10000x128xf32, #tpu.memory_space<hbm>>) dst(%arg11 : memref<80x128xf32, #tpu.memory_space<vmem>>)
      %dma_start3A_71 = arith.constant 0 : i32
      %dma_start3A_72 = tpu.memref_slice %arg8[%mul3A_54, %dma_start3A_71] : memref<125x80xi32, #tpu.memory_space<vmem>> -> memref<1x80xi32, #tpu.memory_space<vmem>>
      %dma_start3A_73 = tpu.memref_squeeze %dma_start3A_72 : memref<1x80xi32, #tpu.memory_space<vmem>> -> memref<80xi32, #tpu.memory_space<vmem>>
      %dma_start3A_74 = arith.constant 0 : i32
      %dma_start3A_75 = arith.constant 0 : i32
      %dma_start3A_76 = tpu.memref_slice %arg7[%dma_start3A_74, %dma_start3A_75] : memref<10240x128xf32, #tpu.memory_space<vmem_shared>> -> memref<10240x128xf32, #tpu.memory_space<vmem_shared>>
      tpu.enqueue_indirect_dma source(%arg11 : memref<80x128xf32, #tpu.memory_space<vmem>>) target(%dma_start3A_76 : memref<10240x128xf32, #tpu.memory_space<vmem_shared>>) offsets(%dma_start3A_73 : memref<80xi32, #tpu.memory_space<vmem>>) semaphore(%arg17 : memref<!tpu.dma_semaphore, #tpu.memory_space<semaphore_mem>>) {add = true}
      %add3A_77 = arith.constant 2 : i32
      %add3A_78 = arith.addi %mul3A_54, %add3A_77 : i32
      %lt3A = arith.constant 125 : i32
      %lt3A_79 = arith.cmpi slt, %add3A_78, %lt3A : i32
      %convert_element_type3A_80 = arith.extui %lt3A_79 : i1 to i32
      %cond3A_81 = arith.constant 0 : i32
      %cond3A_82 = arith.cmpi ne, %convert_element_type3A_80, %cond3A_81 : i32
      scf.if %cond3A_82 {
        %add3A_117 = arith.constant 2 : i32
        %add3A_118 = arith.addi %mul3A_54, %add3A_117 : i32
        %dma_start3A_119 = arith.constant 0 : i32
        %dma_start3A_120 = tpu.memref_slice %arg3[%add3A, %add3A_118, %dma_start3A_119] : memref<32x125x80xi32, #tpu.memory_space<hbm>> -> memref<1x1x80xi32, #tpu.memory_space<hbm>>
        %dma_start3A_121 = tpu.memref_squeeze %dma_start3A_120 : memref<1x1x80xi32, #tpu.memory_space<hbm>> -> memref<80xi32, #tpu.memory_space<hbm>>
        %dma_start3A_122 = arith.constant 0 : i32
        %dma_start3A_123 = tpu.memref_slice %arg3[%add3A, %add3A_118, %dma_start3A_122] : memref<32x125x80xi32, #tpu.memory_space<hbm>> -> memref<1x1x80xi32, #tpu.memory_space<hbm>>
        %dma_start3A_124 = tpu.memref_squeeze %dma_start3A_123 : memref<1x1x80xi32, #tpu.memory_space<hbm>> -> memref<80xi32, #tpu.memory_space<hbm>>
        tpu.enqueue_dma source(%dma_start3A_124 : memref<80xi32, #tpu.memory_space<hbm>>) target(%arg9 : memref<80xi32, #tpu.memory_space<vmem>>) target_semaphore(%arg13 : memref<!tpu.dma_semaphore, #tpu.memory_space<semaphore_mem>>)
      } else {
      }
      %add3A_83 = arith.constant 1 : i32
      %add3A_84 = arith.addi %mul3A_54, %add3A_83 : i32
      %add3A_85 = arith.constant 1 : i32
      %add3A_86 = arith.addi %add3A_84, %add3A_85 : i32
      %dma_wait3A_87 = arith.constant 0 : i32
      %dma_wait3A_88 = tpu.memref_slice %arg3[%add3A, %add3A_86, %dma_wait3A_87] : memref<32x125x80xi32, #tpu.memory_space<hbm>> -> memref<1x1x80xi32, #tpu.memory_space<hbm>>
      %dma_wait3A_89 = tpu.memref_squeeze %dma_wait3A_88 : memref<1x1x80xi32, #tpu.memory_space<hbm>> -> memref<80xi32, #tpu.memory_space<hbm>>
      %dma_wait3A_90 = arith.constant 0 : i32
      %dma_wait3A_91 = tpu.memref_slice %arg3[%add3A, %add3A_86, %dma_wait3A_90] : memref<32x125x80xi32, #tpu.memory_space<hbm>> -> memref<1x1x80xi32, #tpu.memory_space<hbm>>
      %dma_wait3A_92 = tpu.memref_squeeze %dma_wait3A_91 : memref<1x1x80xi32, #tpu.memory_space<hbm>> -> memref<80xi32, #tpu.memory_space<hbm>>
      tpu.wait_dma2 semaphore(%arg13 : memref<!tpu.dma_semaphore, #tpu.memory_space<semaphore_mem>>) src(%dma_wait3A_92 : memref<80xi32, #tpu.memory_space<hbm>>) dst(%arg9 : memref<80xi32, #tpu.memory_space<vmem>>)
      %ge3A_93 = arith.constant 1 : i32
      %ge3A_94 = arith.cmpi sge, %add3A_84, %ge3A_93 : i32
      %convert_element_type3A_95 = arith.extui %ge3A_94 : i1 to i32
      %cond3A_96 = arith.constant 0 : i32
      %cond3A_97 = arith.cmpi ne, %convert_element_type3A_95, %cond3A_96 : i32
      scf.if %cond3A_97 {
        %dma_wait3A_117 = arith.constant 0 : i32
        %dma_wait3A_118 = tpu.memref_slice %arg8[%add3A_84, %dma_wait3A_117] : memref<125x80xi32, #tpu.memory_space<vmem>> -> memref<1x80xi32, #tpu.memory_space<vmem>>
        %dma_wait3A_119 = tpu.memref_squeeze %dma_wait3A_118 : memref<1x80xi32, #tpu.memory_space<vmem>> -> memref<80xi32, #tpu.memory_space<vmem>>
        %dma_wait3A_120 = arith.constant 0 : i32
        %dma_wait3A_121 = arith.constant 0 : i32
        %dma_wait3A_122 = tpu.memref_slice %arg7[%dma_wait3A_120, %dma_wait3A_121] : memref<10240x128xf32, #tpu.memory_space<vmem_shared>> -> memref<10240x128xf32, #tpu.memory_space<vmem_shared>>
        tpu.wait_indirect_dma semaphore(%arg17 : memref<!tpu.dma_semaphore, #tpu.memory_space<semaphore_mem>>) src(%arg11 : memref<80x128xf32, #tpu.memory_space<vmem>>) dst(%dma_wait3A_122 : memref<10240x128xf32, #tpu.memory_space<vmem_shared>>)
      } else {
      }
      %dma_start3A_98 = arith.constant 0 : i32
      %dma_start3A_99 = arith.constant 0 : i32
      %dma_start3A_100 = tpu.memref_slice %arg2[%dma_start3A_98, %dma_start3A_99] : memref<10000x128xf32, #tpu.memory_space<hbm>> -> memref<10000x128xf32, #tpu.memory_space<hbm>>
      tpu.enqueue_indirect_dma source(%dma_start3A_100 : memref<10000x128xf32, #tpu.memory_space<hbm>>) target(%arg11 : memref<80x128xf32, #tpu.memory_space<vmem>>) offsets(%arg9 : memref<80xi32, #tpu.memory_space<vmem>>) semaphore(%arg15 : memref<!tpu.dma_semaphore, #tpu.memory_space<semaphore_mem>>)
      %dma_wait3A_101 = arith.constant 0 : i32
      %dma_wait3A_102 = arith.constant 0 : i32
      %dma_wait3A_103 = tpu.memref_slice %arg2[%dma_wait3A_101, %dma_wait3A_102] : memref<10000x128xf32, #tpu.memory_space<hbm>> -> memref<10000x128xf32, #tpu.memory_space<hbm>>
      tpu.wait_indirect_dma semaphore(%arg16 : memref<!tpu.dma_semaphore, #tpu.memory_space<semaphore_mem>>) src(%dma_wait3A_103 : memref<10000x128xf32, #tpu.memory_space<hbm>>) dst(%arg12 : memref<80x128xf32, #tpu.memory_space<vmem>>)
      %dma_start3A_104 = arith.constant 0 : i32
      %dma_start3A_105 = tpu.memref_slice %arg8[%add3A_84, %dma_start3A_104] : memref<125x80xi32, #tpu.memory_space<vmem>> -> memref<1x80xi32, #tpu.memory_space<vmem>>
      %dma_start3A_106 = tpu.memref_squeeze %dma_start3A_105 : memref<1x80xi32, #tpu.memory_space<vmem>> -> memref<80xi32, #tpu.memory_space<vmem>>
      %dma_start3A_107 = arith.constant 0 : i32
      %dma_start3A_108 = arith.constant 0 : i32
      %dma_start3A_109 = tpu.memref_slice %arg7[%dma_start3A_107, %dma_start3A_108] : memref<10240x128xf32, #tpu.memory_space<vmem_shared>> -> memref<10240x128xf32, #tpu.memory_space<vmem_shared>>
      tpu.enqueue_indirect_dma source(%arg12 : memref<80x128xf32, #tpu.memory_space<vmem>>) target(%dma_start3A_109 : memref<10240x128xf32, #tpu.memory_space<vmem_shared>>) offsets(%dma_start3A_106 : memref<80xi32, #tpu.memory_space<vmem>>) semaphore(%arg18 : memref<!tpu.dma_semaphore, #tpu.memory_space<semaphore_mem>>) {add = true}
      %add3A_110 = arith.constant 2 : i32
      %add3A_111 = arith.addi %add3A_84, %add3A_110 : i32
      %lt3A_112 = arith.constant 125 : i32
      %lt3A_113 = arith.cmpi slt, %add3A_111, %lt3A_112 : i32
      %convert_element_type3A_114 = arith.extui %lt3A_113 : i1 to i32
      %cond3A_115 = arith.constant 0 : i32
      %cond3A_116 = arith.cmpi ne, %convert_element_type3A_114, %cond3A_115 : i32
      scf.if %cond3A_116 {
        %add3A_117 = arith.constant 2 : i32
        %add3A_118 = arith.addi %add3A_84, %add3A_117 : i32
        %dma_start3A_119 = arith.constant 0 : i32
        %dma_start3A_120 = tpu.memref_slice %arg3[%add3A, %add3A_118, %dma_start3A_119] : memref<32x125x80xi32, #tpu.memory_space<hbm>> -> memref<1x1x80xi32, #tpu.memory_space<hbm>>
        %dma_start3A_121 = tpu.memref_squeeze %dma_start3A_120 : memref<1x1x80xi32, #tpu.memory_space<hbm>> -> memref<80xi32, #tpu.memory_space<hbm>>
        %dma_start3A_122 = arith.constant 0 : i32
        %dma_start3A_123 = tpu.memref_slice %arg3[%add3A, %add3A_118, %dma_start3A_122] : memref<32x125x80xi32, #tpu.memory_space<hbm>> -> memref<1x1x80xi32, #tpu.memory_space<hbm>>
        %dma_start3A_124 = tpu.memref_squeeze %dma_start3A_123 : memref<1x1x80xi32, #tpu.memory_space<hbm>> -> memref<80xi32, #tpu.memory_space<hbm>>
        tpu.enqueue_dma source(%dma_start3A_124 : memref<80xi32, #tpu.memory_space<hbm>>) target(%arg10 : memref<80xi32, #tpu.memory_space<vmem>>) target_semaphore(%arg14 : memref<!tpu.dma_semaphore, #tpu.memory_space<semaphore_mem>>)
      } else {
      }
    }
    %scan3A_39 = arith.constant 62 : i32
    %dma_wait3A_40 = arith.constant 0 : i32
    %dma_wait3A_41 = arith.constant 0 : i32
    %dma_wait3A_42 = tpu.memref_slice %arg2[%dma_wait3A_40, %dma_wait3A_41] : memref<10000x128xf32, #tpu.memory_space<hbm>> -> memref<10000x128xf32, #tpu.memory_space<hbm>>
    tpu.wait_indirect_dma semaphore(%arg15 : memref<!tpu.dma_semaphore, #tpu.memory_space<semaphore_mem>>) src(%dma_wait3A_42 : memref<10000x128xf32, #tpu.memory_space<hbm>>) dst(%arg11 : memref<80x128xf32, #tpu.memory_space<vmem>>)
    %run_scoped3A_43 = arith.constant 124 : i32
    "tpu.region"() ({
      %run_scoped3A_52 = tpu.sem_alloc : memref<!tpu.dma_semaphore, #tpu.memory_space<semaphore_mem>>
      %dma_start3A_53 = arith.constant 0 : i32
      %dma_start3A_54 = tpu.memref_slice %arg8[%run_scoped3A_43, %dma_start3A_53] : memref<125x80xi32, #tpu.memory_space<vmem>> -> memref<1x80xi32, #tpu.memory_space<vmem>>
      %dma_start3A_55 = tpu.memref_squeeze %dma_start3A_54 : memref<1x80xi32, #tpu.memory_space<vmem>> -> memref<80xi32, #tpu.memory_space<vmem>>
      %dma_start3A_56 = arith.constant 0 : i32
      %dma_start3A_57 = arith.constant 0 : i32
      %dma_start3A_58 = tpu.memref_slice %arg7[%dma_start3A_56, %dma_start3A_57] : memref<10240x128xf32, #tpu.memory_space<vmem_shared>> -> memref<10240x128xf32, #tpu.memory_space<vmem_shared>>
      tpu.enqueue_indirect_dma source(%arg11 : memref<80x128xf32, #tpu.memory_space<vmem>>) target(%dma_start3A_58 : memref<10240x128xf32, #tpu.memory_space<vmem_shared>>) offsets(%dma_start3A_55 : memref<80xi32, #tpu.memory_space<vmem>>) semaphore(%run_scoped3A_52 : memref<!tpu.dma_semaphore, #tpu.memory_space<semaphore_mem>>) {add = true}
      %dma_wait3A_59 = arith.constant 0 : i32
      %dma_wait3A_60 = tpu.memref_slice %arg8[%run_scoped3A_43, %dma_wait3A_59] : memref<125x80xi32, #tpu.memory_space<vmem>> -> memref<1x80xi32, #tpu.memory_space<vmem>>
      %dma_wait3A_61 = tpu.memref_squeeze %dma_wait3A_60 : memref<1x80xi32, #tpu.memory_space<vmem>> -> memref<80xi32, #tpu.memory_space<vmem>>
      %dma_wait3A_62 = arith.constant 0 : i32
      %dma_wait3A_63 = arith.constant 0 : i32
      %dma_wait3A_64 = tpu.memref_slice %arg7[%dma_wait3A_62, %dma_wait3A_63] : memref<10240x128xf32, #tpu.memory_space<vmem_shared>> -> memref<10240x128xf32, #tpu.memory_space<vmem_shared>>
      tpu.wait_indirect_dma semaphore(%run_scoped3A_52 : memref<!tpu.dma_semaphore, #tpu.memory_space<semaphore_mem>>) src(%arg11 : memref<80x128xf32, #tpu.memory_space<vmem>>) dst(%dma_wait3A_64 : memref<10240x128xf32, #tpu.memory_space<vmem_shared>>)
      tpu.yield
    }) : () -> ()
    %dma_wait3A_44 = arith.constant 123 : i32
    %dma_wait3A_45 = arith.constant 0 : i32
    %dma_wait3A_46 = tpu.memref_slice %arg8[%dma_wait3A_44, %dma_wait3A_45] : memref<125x80xi32, #tpu.memory_space<vmem>> -> memref<1x80xi32, #tpu.memory_space<vmem>>
    %dma_wait3A_47 = tpu.memref_squeeze %dma_wait3A_46 : memref<1x80xi32, #tpu.memory_space<vmem>> -> memref<80xi32, #tpu.memory_space<vmem>>
    %dma_wait3A_48 = arith.constant 0 : i32
    %dma_wait3A_49 = arith.constant 0 : i32
    %dma_wait3A_50 = tpu.memref_slice %arg7[%dma_wait3A_48, %dma_wait3A_49] : memref<10240x128xf32, #tpu.memory_space<vmem_shared>> -> memref<10240x128xf32, #tpu.memory_space<vmem_shared>>
    tpu.wait_indirect_dma semaphore(%arg18 : memref<!tpu.dma_semaphore, #tpu.memory_space<semaphore_mem>>) src(%arg12 : memref<80x128xf32, #tpu.memory_space<vmem>>) dst(%dma_wait3A_50 : memref<10240x128xf32, #tpu.memory_space<vmem_shared>>)
    %barrier3A_51 = arith.constant 0 : index
    tpu.barrier barrier_id(%barrier3A_51)
    "tpu.region"() ({
      %run_scoped3A_52 = tpu.sem_alloc : memref<!tpu.dma_semaphore, #tpu.memory_space<semaphore_mem>>
      %dma_start3A_53 = arith.constant 0 : i32
      %dma_start3A_54 = tpu.memref_slice %arg6[%arg0, %mul3A_0, %dma_start3A_53] : memref<2x10240x128xf32, #tpu.memory_space<hbm>> -> memref<1x640x128xf32, #tpu.memory_space<hbm>>
      %dma_start3A_55 = tpu.memref_squeeze %dma_start3A_54 : memref<1x640x128xf32, #tpu.memory_space<hbm>> -> memref<640x128xf32, #tpu.memory_space<hbm>>
      %dma_start3A_56 = arith.constant 0 : i32
      %dma_start3A_57 = tpu.memref_slice %arg7[%mul3A_0, %dma_start3A_56] : memref<10240x128xf32, #tpu.memory_space<vmem_shared>> -> memref<640x128xf32, #tpu.memory_space<vmem_shared>>
      tpu.enqueue_dma source(%dma_start3A_57 : memref<640x128xf32, #tpu.memory_space<vmem_shared>>) target(%dma_start3A_55 : memref<640x128xf32, #tpu.memory_space<hbm>>) target_semaphore(%run_scoped3A_52 : memref<!tpu.dma_semaphore, #tpu.memory_space<semaphore_mem>>)
      %dma_wait3A_58 = arith.constant 0 : i32
      %dma_wait3A_59 = tpu.memref_slice %arg6[%arg0, %mul3A_0, %dma_wait3A_58] : memref<2x10240x128xf32, #tpu.memory_space<hbm>> -> memref<1x640x128xf32, #tpu.memory_space<hbm>>
      %dma_wait3A_60 = tpu.memref_squeeze %dma_wait3A_59 : memref<1x640x128xf32, #tpu.memory_space<hbm>> -> memref<640x128xf32, #tpu.memory_space<hbm>>
      %dma_wait3A_61 = arith.constant 0 : i32
      %dma_wait3A_62 = tpu.memref_slice %arg7[%mul3A_0, %dma_wait3A_61] : memref<10240x128xf32, #tpu.memory_space<vmem_shared>> -> memref<640x128xf32, #tpu.memory_space<vmem_shared>>
      tpu.wait_dma2 semaphore(%run_scoped3A_52 : memref<!tpu.dma_semaphore, #tpu.memory_space<semaphore_mem>>) src(%dma_wait3A_62 : memref<640x128xf32, #tpu.memory_space<vmem_shared>>) dst(%dma_wait3A_60 : memref<640x128xf32, #tpu.memory_space<hbm>>)
      tpu.yield
    }) : () -> ()
    return
  }
}

module attributes {stable_mosaic.version = 14 : i64} {
  func.func @_tc_mid_body(%arg0: memref<2x10240x128xf32, #tpu.memory_space<vmem>>, %arg1: memref<10000x128xf32, #tpu.memory_space<vmem>>, %arg2: memref<10000x1xf32, #tpu.memory_space<vmem>>, %arg3: memref<1x128xf32, #tpu.memory_space<vmem>>, %arg4: memref<1x128xf32, #tpu.memory_space<vmem>>, %arg5: memref<1x128xf32, #tpu.memory_space<vmem>>, %arg6: memref<128x128xf32, #tpu.memory_space<vmem>>, %arg7: memref<10000x128xf32, #tpu.memory_space<vmem>>) attributes {dimension_semantics = [], scalar_prefetch = 0 : i64, scratch_operands = 0 : i64, tpu.core_type = #tpu.core_type<tc>} {
    %get3A = arith.constant 0 : index
    %get3A_0 = arith.constant 0 : index
    %get3A_1 = arith.constant 0 : index
    %get3A_2 = vector.load %arg0[%get3A, %get3A_0, %get3A_1] : memref<2x10240x128xf32, #tpu.memory_space<vmem>>, vector<2x10240x128xf32>
    %get3A_3 = arith.constant 0 : index
    %get3A_4 = arith.constant 0 : index
    %get3A_5 = vector.load %arg2[%get3A_3, %get3A_4] : memref<10000x1xf32, #tpu.memory_space<vmem>>, vector<10000x1xf32>
    %slice3A = vector.extract_strided_slice %get3A_2 {offsets = [0, 0, 0], sizes = [1, 10240, 128], strides = [1, 1, 1]} : vector<2x10240x128xf32> to vector<1x10240x128xf32>
    %squeeze3A = vector.shape_cast %slice3A : vector<1x10240x128xf32> to vector<10240x128xf32>
    %slice3A_6 = vector.extract_strided_slice %squeeze3A {offsets = [0, 0], sizes = [10000, 128], strides = [1, 1]} : vector<10240x128xf32> to vector<10000x128xf32>
    %slice3A_7 = vector.extract_strided_slice %get3A_2 {offsets = [1, 0, 0], sizes = [1, 10240, 128], strides = [1, 1, 1]} : vector<2x10240x128xf32> to vector<1x10240x128xf32>
    %squeeze3A_8 = vector.shape_cast %slice3A_7 : vector<1x10240x128xf32> to vector<10240x128xf32>
    %slice3A_9 = vector.extract_strided_slice %squeeze3A_8 {offsets = [0, 0], sizes = [10000, 128], strides = [1, 1]} : vector<10240x128xf32> to vector<10000x128xf32>
    %add3A = arith.addf %slice3A_6, %slice3A_9 : vector<10000x128xf32>
    %get3A_10 = arith.constant 0 : index
    %get3A_11 = arith.constant 0 : index
    %get3A_12 = vector.load %arg1[%get3A_10, %get3A_11] : memref<10000x128xf32, #tpu.memory_space<vmem>>, vector<10000x128xf32>
    %add3A_13 = arith.addf %add3A, %get3A_12 : vector<10000x128xf32>
    %mul3A = vector.broadcast %get3A_5 : vector<10000x1xf32> to vector<10000x128xf32>
    %mul3A_14 = arith.mulf %mul3A, %add3A_13 : vector<10000x128xf32>
    %get3A_15 = arith.constant 0 : index
    %get3A_16 = arith.constant 0 : index
    %get3A_17 = vector.load %arg3[%get3A_15, %get3A_16] : memref<1x128xf32, #tpu.memory_space<vmem>>, vector<1x128xf32>
    %add3A_18 = vector.broadcast %get3A_17 : vector<1x128xf32> to vector<10000x128xf32>
    %add3A_19 = arith.addf %mul3A_14, %add3A_18 : vector<10000x128xf32>
    %get3A_20 = arith.constant 0 : index
    %get3A_21 = arith.constant 0 : index
    %get3A_22 = vector.load %arg4[%get3A_20, %get3A_21] : memref<1x128xf32, #tpu.memory_space<vmem>>, vector<1x128xf32>
    %mul3A_23 = arith.constant 0.999994993 : f32
    %mul3A_24 = vector.broadcast %mul3A_23 : f32 to vector<10000x128xf32>
    %mul3A_25 = arith.mulf %add3A_19, %mul3A_24 : vector<10000x128xf32>
    %mul3A_26 = vector.broadcast %get3A_22 : vector<1x128xf32> to vector<10000x128xf32>
    %mul3A_27 = arith.mulf %mul3A_26, %mul3A_25 : vector<10000x128xf32>
    %get3A_28 = arith.constant 0 : index
    %get3A_29 = arith.constant 0 : index
    %get3A_30 = vector.load %arg5[%get3A_28, %get3A_29] : memref<1x128xf32, #tpu.memory_space<vmem>>, vector<1x128xf32>
    %add3A_31 = vector.broadcast %get3A_30 : vector<1x128xf32> to vector<10000x128xf32>
    %add3A_32 = arith.addf %mul3A_27, %add3A_31 : vector<10000x128xf32>
    %max3A = arith.constant 0.000000e+00 : f32
    %max3A_33 = vector.broadcast %max3A : f32 to vector<10000x128xf32>
    %max3A_34 = arith.maximumf %add3A_32, %max3A_33 : vector<10000x128xf32>
    %get3A_35 = arith.constant 0 : index
    %get3A_36 = arith.constant 0 : index
    %get3A_37 = vector.load %arg6[%get3A_35, %get3A_36] : memref<128x128xf32, #tpu.memory_space<vmem>>, vector<128x128xf32>
    %dot_general3A = arith.constant dense<0.000000e+00> : vector<10000x128xf32>
    %dot_general3A_38 = tpu.matmul %max3A_34, %get3A_37, %dot_general3A {dimension_numbers = #tpu.dot_dimension_numbers<[1], [0], [0], [1], [0, 0, 1, 1], [], []>, transpose_lhs_hint = false} : vector<10000x128xf32>, vector<128x128xf32>, vector<10000x128xf32> -> vector<10000x128xf32>
    %mul3A_39 = vector.broadcast %get3A_5 : vector<10000x1xf32> to vector<10000x128xf32>
    %mul3A_40 = arith.mulf %mul3A_39, %dot_general3A_38 : vector<10000x128xf32>
    %swap3A = arith.constant 0 : index
    %swap3A_41 = arith.constant 0 : index
    %swap3A_42 = vector.load %arg7[%swap3A, %swap3A_41] : memref<10000x128xf32, #tpu.memory_space<vmem>>, vector<10000x128xf32>
    tpu.vector_store %arg7[%swap3A, %swap3A_41], %mul3A_40 {strides = array<i32>} : memref<10000x128xf32, #tpu.memory_space<vmem>>, vector<10000x128xf32>,
    return
  }
}

module attributes {stable_mosaic.version = 14 : i64} {
  func.func @_tc_first_body(%arg0: memref<2x10240x128xf32, #tpu.memory_space<vmem>>, %arg1: memref<10000x128xf32, #tpu.memory_space<vmem>>, %arg2: memref<128x128xf32, #tpu.memory_space<vmem>>, %arg3: memref<10000x1xf32, #tpu.memory_space<vmem>>, %arg4: memref<10000x128xf32, #tpu.memory_space<vmem>>) attributes {dimension_semantics = [], scalar_prefetch = 0 : i64, scratch_operands = 0 : i64, tpu.core_type = #tpu.core_type<tc>} {
    %get3A = arith.constant 0 : index
    %get3A_0 = arith.constant 0 : index
    %get3A_1 = arith.constant 0 : index
    %get3A_2 = vector.load %arg0[%get3A, %get3A_0, %get3A_1] : memref<2x10240x128xf32, #tpu.memory_space<vmem>>, vector<2x10240x128xf32>
    %slice3A = vector.extract_strided_slice %get3A_2 {offsets = [0, 0, 0], sizes = [1, 10240, 128], strides = [1, 1, 1]} : vector<2x10240x128xf32> to vector<1x10240x128xf32>
    %squeeze3A = vector.shape_cast %slice3A : vector<1x10240x128xf32> to vector<10240x128xf32>
    %slice3A_3 = vector.extract_strided_slice %squeeze3A {offsets = [0, 0], sizes = [10000, 1], strides = [1, 1]} : vector<10240x128xf32> to vector<10000x1xf32>
    %slice3A_4 = vector.extract_strided_slice %get3A_2 {offsets = [1, 0, 0], sizes = [1, 10240, 128], strides = [1, 1, 1]} : vector<2x10240x128xf32> to vector<1x10240x128xf32>
    %squeeze3A_5 = vector.shape_cast %slice3A_4 : vector<1x10240x128xf32> to vector<10240x128xf32>
    %slice3A_6 = vector.extract_strided_slice %squeeze3A_5 {offsets = [0, 0], sizes = [10000, 1], strides = [1, 1]} : vector<10240x128xf32> to vector<10000x1xf32>
    %add3A = arith.addf %slice3A_3, %slice3A_6 : vector<10000x1xf32>
    %add3A_7 = arith.constant 1.000000e+00 : f32
    %add3A_8 = vector.broadcast %add3A_7 : f32 to vector<10000x1xf32>
    %add3A_9 = arith.addf %add3A, %add3A_8 : vector<10000x1xf32>
    %rsqrt3A = math.rsqrt %add3A_9 : vector<10000x1xf32>
    %swap3A = arith.constant 0 : index
    %swap3A_10 = arith.constant 0 : index
    %swap3A_11 = vector.load %arg3[%swap3A, %swap3A_10] : memref<10000x1xf32, #tpu.memory_space<vmem>>, vector<10000x1xf32>
    tpu.vector_store %arg3[%swap3A, %swap3A_10], %rsqrt3A {strides = array<i32>} : memref<10000x1xf32, #tpu.memory_space<vmem>>, vector<10000x1xf32>,
    %get3A_12 = arith.constant 0 : index
    %get3A_13 = arith.constant 0 : index
    %get3A_14 = vector.load %arg1[%get3A_12, %get3A_13] : memref<10000x128xf32, #tpu.memory_space<vmem>>, vector<10000x128xf32>
    %get3A_15 = arith.constant 0 : index
    %get3A_16 = arith.constant 0 : index
    %get3A_17 = vector.load %arg2[%get3A_15, %get3A_16] : memref<128x128xf32, #tpu.memory_space<vmem>>, vector<128x128xf32>
    %dot_general3A = arith.constant dense<0.000000e+00> : vector<10000x128xf32>
    %dot_general3A_18 = tpu.matmul %get3A_14, %get3A_17, %dot_general3A {dimension_numbers = #tpu.dot_dimension_numbers<[1], [0], [0], [1], [0, 0, 1, 1], [], []>, transpose_lhs_hint = false} : vector<10000x128xf32>, vector<128x128xf32>, vector<10000x128xf32> -> vector<10000x128xf32>
    %mul3A = vector.broadcast %rsqrt3A : vector<10000x1xf32> to vector<10000x128xf32>
    %mul3A_19 = arith.mulf %mul3A, %dot_general3A_18 : vector<10000x128xf32>
    %swap3A_20 = arith.constant 0 : index
    %swap3A_21 = arith.constant 0 : index
    %swap3A_22 = vector.load %arg4[%swap3A_20, %swap3A_21] : memref<10000x128xf32, #tpu.memory_space<vmem>>, vector<10000x128xf32>
    tpu.vector_store %arg4[%swap3A_20, %swap3A_21], %mul3A_19 {strides = array<i32>} : memref<10000x128xf32, #tpu.memory_space<vmem>>, vector<10000x128xf32>,
    return
  }
}

module attributes {stable_mosaic.version = 14 : i64} {
  func.func @_tc_last_body(%arg0: memref<2x10240x128xf32, #tpu.memory_space<vmem>>, %arg1: memref<10000x128xf32, #tpu.memory_space<vmem>>, %arg2: memref<10000x1xf32, #tpu.memory_space<vmem>>, %arg3: memref<1x128xf32, #tpu.memory_space<vmem>>, %arg4: memref<10000x128xf32, #tpu.memory_space<vmem>>) attributes {dimension_semantics = [], scalar_prefetch = 0 : i64, scratch_operands = 0 : i64, tpu.core_type = #tpu.core_type<tc>} {
    %get3A = arith.constant 0 : index
    %get3A_0 = arith.constant 0 : index
    %get3A_1 = arith.constant 0 : index
    %get3A_2 = vector.load %arg0[%get3A, %get3A_0, %get3A_1] : memref<2x10240x128xf32, #tpu.memory_space<vmem>>, vector<2x10240x128xf32>
    %slice3A = vector.extract_strided_slice %get3A_2 {offsets = [0, 0, 0], sizes = [1, 10240, 128], strides = [1, 1, 1]} : vector<2x10240x128xf32> to vector<1x10240x128xf32>
    %squeeze3A = vector.shape_cast %slice3A : vector<1x10240x128xf32> to vector<10240x128xf32>
    %slice3A_3 = vector.extract_strided_slice %squeeze3A {offsets = [0, 0], sizes = [10000, 128], strides = [1, 1]} : vector<10240x128xf32> to vector<10000x128xf32>
    %slice3A_4 = vector.extract_strided_slice %get3A_2 {offsets = [1, 0, 0], sizes = [1, 10240, 128], strides = [1, 1, 1]} : vector<2x10240x128xf32> to vector<1x10240x128xf32>
    %squeeze3A_5 = vector.shape_cast %slice3A_4 : vector<1x10240x128xf32> to vector<10240x128xf32>
    %slice3A_6 = vector.extract_strided_slice %squeeze3A_5 {offsets = [0, 0], sizes = [10000, 128], strides = [1, 1]} : vector<10240x128xf32> to vector<10000x128xf32>
    %add3A = arith.addf %slice3A_3, %slice3A_6 : vector<10000x128xf32>
    %get3A_7 = arith.constant 0 : index
    %get3A_8 = arith.constant 0 : index
    %get3A_9 = vector.load %arg1[%get3A_7, %get3A_8] : memref<10000x128xf32, #tpu.memory_space<vmem>>, vector<10000x128xf32>
    %add3A_10 = arith.addf %add3A, %get3A_9 : vector<10000x128xf32>
    %get3A_11 = arith.constant 0 : index
    %get3A_12 = arith.constant 0 : index
    %get3A_13 = vector.load %arg2[%get3A_11, %get3A_12] : memref<10000x1xf32, #tpu.memory_space<vmem>>, vector<10000x1xf32>
    %mul3A = vector.broadcast %get3A_13 : vector<10000x1xf32> to vector<10000x128xf32>
    %mul3A_14 = arith.mulf %mul3A, %add3A_10 : vector<10000x128xf32>
    %get3A_15 = arith.constant 0 : index
    %get3A_16 = arith.constant 0 : index
    %get3A_17 = vector.load %arg3[%get3A_15, %get3A_16] : memref<1x128xf32, #tpu.memory_space<vmem>>, vector<1x128xf32>
    %add3A_18 = vector.broadcast %get3A_17 : vector<1x128xf32> to vector<10000x128xf32>
    %add3A_19 = arith.addf %mul3A_14, %add3A_18 : vector<10000x128xf32>
    %swap3A = arith.constant 0 : index
    %swap3A_20 = arith.constant 0 : index
    %swap3A_21 = vector.load %arg4[%swap3A, %swap3A_20] : memref<10000x128xf32, #tpu.memory_space<vmem>>, vector<10000x128xf32>
    tpu.vector_store %arg4[%swap3A, %swap3A_20], %add3A_19 {strides = array<i32>} : memref<10000x128xf32, #tpu.memory_space<vmem>>, vector<10000x128xf32>,
    return
  }
}

</mosaic_0001>

<sc_bundles>
// kernel: kernel.10.cloned.1.call-start
scs
__scs_entry_jumppad:
0x0: {  	(pc) =	sbr.rel $0x88, $3  }
0x1: {  	(tag) =	ssettag $0x0;
	lr =	simm.s32 $0x1  }
0x2: {  	[smem:$0x3F95] =	sst lr;
	_ =	strace $0xD0000000  }
0x3: {  	_ = 	snop  }
0x4: {  	_ = 	snop  }
0x5: {  	_ = 	snop  }
0x6: {  	_ = 	snop  }
0x7: {  	_ = 	snop  }
__scs_overlays_trampoline_lowered:
0x8: {  	[smem:$0x3FA4] =	sst s0  }
0x9: {  	[smem:$0x3FA5] =	sst s1  }
0xa: {  	[smem:$0x3FA6] =	sst s2  }
0xb: {  	[smem:$0x3FA7] =	sst s3  }
0xc: {  	[smem:$0x3FA8] =	sst s4  }
0xd: {  	[smem:$0x3FA9] =	sst s5  }
0xe: {  	[smem:$0x3FAA] =	sst s6  }
0xf: {  	[smem:$0x3FAB] =	sst s7  }
0x10: {  	[smem:$0x3FAC] =	sst s8  }
0x11: {  	[smem:$0x3FAD] =	sst s9;
	s0 =	simm.s32 @!p0 $0x0  }
0x12: {  	s1 =	sld [smem:$0x3F93];
	s0 =	simm.s32 @p0 $0x1  }
0x13: {  	[smem:$0x3FAE] =	sst s0;
	s0 =	simm.s32 @!p1 $0x0  }
0x14: {  	s2 =	sld [smem:$0x3F92];
	s0 =	simm.s32 @p1 $0x1  }
0x15: {  	[smem:$0x3FAF] =	sst s0;
	s0 =	simm.s32 @!p2 $0x0  }
0x16: {  	s3 =	sld [smem:$0x3FDB];
	s0 =	simm.s32 @p2 $0x1  }
0x17: {  	s4 =	simm.s32 $0x1BF5;
	[smem:$0x3FB1] =	sst s0  }
0x18: {  	s0 =	sld [smem:$0x3F94];
	_ =	swait.ge [sflag:s4], $0x0  }
0x19: {  	s7 =	sld [smem:$0x3F95]  }
0x1a: {  	s8 =	sadd.s32 $0xFFFFE003, lr  }
0x1b: {  	s9 =	sadd.s32 $0xFFFFFEF7, lr;
	s5 =	simm.s32 $0xFFFFFFFF;
	p2 =	slt.u32 s8, $0xFFFFF086  }
0x1c: {  	p1 =	slt.u32 s9, $0xF7A;
	s5 =	simm.s32 @!p2 $0x0  }
0x1d: {  	s5 =	simm.s32 @p1 $0x1;
	p0 =	seq.s32 s7, s2  }
0x1e: {  	s7 =	smul.u32 @!p0 $0xF7A, s2;
	p2 =	seq.s32 @!p0 s5, $0x0  }
0x1f: {  	s9 =	smul.u32 $0xF7A, s1;
	s8 =	simm.s32 @!p0 $0x1BF5;
	p2 =	por !p2, p0  }
0x20: {  	[sflag:s8] =	ssyncset.s32 @!p0 $0xFFFFF086;
	s6 =	sadd.s32 @!p0 s3, s7;
	s7 =	simm.s32 @!p0 $0x108  }
0x21: {  	s3 =	sadd.s32 s3, s9;
	s6 =	sadd.s32 @!p0 $0x88, s6;
	s7 =	simm.s32 @p2 $0x1082  }
0x22: {  	[simem:s7], [sflag:s8] =	dma.local @!p0 [hbm:s6], $0xF7A  }
0x23: {  	s9 =	sor.u32 $0xD0000000, s2;
	s6 =	simm.s32 $0x108;
	_ =	swait.ge @!p0 [sflag:s8], $0x0  }
0x24: {  	s3 =	sadd.s32 $0x88, s3;
	s6 =	simm.s32 @!p1 $0x1082;
	[sflag:s4] =	ssyncset.s32 $0xFFFFF086  }
0x25: {  	[simem:s6], [sflag:s4] =	dma.local [hbm:s3], $0xF7A  }
0x26: {  	[smem:$0x3F95] =	sst s1;
	(tag) =	ssettag s2;
	_ =	strace s9  }
0x27: {  	s1 =	sld [smem:$0x3FA5]  }
0x28: {  	s2 =	sld [smem:$0x3FA6]  }
0x29: {  	s4 =	sld [smem:$0x3FA8]  }
0x2a: {  	p0 =	seq.s32 s5, $0x0;
	s5 =	sld [smem:$0x3FA9]  }
0x2b: {  	s6 =	sld [smem:$0x3FAA]  }
0x2c: {  	s7 =	sld [smem:$0x3FAB]  }
0x2d: {  	s3 =	simm.s32 $0x108;
	s8 =	sld [smem:$0x3FAC]  }
0x2e: {  	s3 =	simm.s32 @!p0 $0x1082;
	s9 =	sld [smem:$0x3FAD]  }
0x2f: {  	lr =	sadd.s32 s0, s3;
	s0 =	sld [smem:$0x3FA4]  }
0x30: {  	s3 =	sld [smem:$0x3FA7]  }
0x31: {  	[smem:$0x3FB0] =	sst s10  }
0x32: {  	s10 =	sld [smem:$0x3FAE];
	_ =	sdelay $0x3  }
0x33: {  	p0 =	seq.s32 s10, $0x1;
	s10 =	sld [smem:$0x3FB0];
	_ =	sdelay $0x3  }
0x34: {  	[smem:$0x3FB0] =	sst s10  }
0x35: {  	s10 =	sld [smem:$0x3FAF];
	_ =	sdelay $0x3  }
0x36: {  	p1 =	seq.s32 s10, $0x1;
	s10 =	sld [smem:$0x3FB0];
	_ =	sdelay $0x3  }
0x37: {  	[smem:$0x3FB0] =	sst s10  }
0x38: {  	s10 =	sld [smem:$0x3FB1]  }
0x39: {  	_ = 	snop;
	(pc) =	sbr.ind lr, $3  }
0x3a: {  	_ = 	snop  }
0x3b: {  	_ = 	snop  }
0x3c: {  	p2 =	seq.s32 s10, $0x1;
	s10 =	sld [smem:$0x3FB0]  }
0x3d: {  	_ =	shalt  }
0x3e: {  	_ =	shalt  }
0x3f: {  	_ =	shalt  }
0x40: {  	_ =	shalt  }
0x41: {  	_ =	shalt  }
0x42: {  	_ =	shalt  }
0x43: {  	_ =	shalt  }
0x44: {  	_ =	shalt  }
0x45: {  	_ =	shalt  }
0x46: {  	_ =	shalt  }
0x47: {  	_ =	shalt  }
0x48: {  	_ =	shalt  }
0x49: {  	_ =	shalt  }
0x4a: {  	_ =	shalt  }
0x4b: {  	_ =	shalt  }
0x4c: {  	_ =	shalt  }
0x4d: {  	_ =	shalt  }
0x4e: {  	_ =	shalt  }
0x4f: {  	_ =	shalt  }
0x50: {  	_ =	shalt  }
0x51: {  	_ =	shalt  }
0x52: {  	_ =	shalt  }
0x53: {  	_ =	shalt  }
0x54: {  	_ =	shalt  }
0x55: {  	_ =	shalt  }
0x56: {  	_ =	shalt  }
0x57: {  	_ =	shalt  }
0x58: {  	_ =	shalt  }
0x59: {  	_ =	shalt  }
0x5a: {  	_ =	shalt  }
0x5b: {  	_ =	shalt  }
0x5c: {  	_ =	shalt  }
0x5d: {  	_ =	shalt  }
0x5e: {  	_ =	shalt  }
0x5f: {  	_ =	shalt  }
0x60: {  	_ =	shalt  }
0x61: {  	_ =	shalt  }
0x62: {  	_ =	shalt  }
0x63: {  	_ =	shalt  }
0x64: {  	_ =	shalt  }
0x65: {  	_ =	shalt  }
0x66: {  	_ =	shalt  }
0x67: {  	_ =	shalt  }
0x68: {  	_ =	shalt  }
0x69: {  	_ =	shalt  }
0x6a: {  	_ =	shalt  }
0x6b: {  	_ =	shalt  }
0x6c: {  	_ =	shalt  }
0x6d: {  	_ =	shalt  }
0x6e: {  	_ =	shalt  }
0x6f: {  	_ =	shalt  }
0x70: {  	_ =	shalt  }
0x71: {  	_ =	shalt  }
0x72: {  	_ =	shalt  }
0x73: {  	_ =	shalt  }
0x74: {  	_ =	shalt  }
0x75: {  	_ =	shalt  }
0x76: {  	_ =	shalt  }
0x77: {  	_ =	shalt  }
0x78: {  	_ =	shalt  }
0x79: {  	_ =	shalt  }
0x7a: {  	_ =	shalt  }
0x7b: {  	_ =	shalt  }
0x7c: {  	_ =	shalt  }
0x7d: {  	_ =	shalt  }
0x7e: {  	_ =	shalt  }
0x7f: {  	_ =	shalt  }
0x80: {  	_ =	shalt  }
0x81: {  	_ =	shalt  }
0x82: {  	_ =	shalt  }
0x83: {  	_ =	shalt  }
0x84: {  	_ =	shalt  }
0x85: {  	_ =	shalt  }
0x86: {  	_ =	shalt  }
0x87: {  	_ =	shalt  }
.Lfunc_end0:
.L_simem_size_0:
called_computation_lowered:
.L_overlay_start_0:
0x88: {  	s2 =	sld [smem:$0x3FD9]  }
0x89: {  	s3 =	sld [smem:$0x3FFE];
	_ =	sdelay $0x1  }
0x8a: {  	s1 =	srdreg.scid  }
0x8b: {  	s0 =	sand.u32 $0x1, s1  }
0x8c: {  	s17 =	sshll.u32 s0, $0xA;
	s2 =	sadd.s32 s3, s2  }
0x8d: {  	s2 =	sadd.s32 s2, s17  }
0x8e: {  	[smem:$0x3FBC] =	sst s2  }
0x8f: {  	_ = 	snop  }
0x90: {  	s2 =	sld [smem:$0x3FD0];
	(tm) =	ssettm $0x1  }
0x91: {  	s18 =	sld [smem:$0x3FFB];
	_ =	sdelay $0x3  }
0x92: {  	_ =	strace s18  }
0x93: {  	s3 =	sld [smem:$0x3FFC];
	_ =	sdelay $0x3  }
0x94: {  	_ =	strace s3  }
0x95: {  	s3 =	sld [smem:$0x3FFD];
	_ =	sdelay $0x3  }
0x96: {  	_ =	strace s3  }
0x97: {  	_ =	strace $0x8FFFFFFF  }
0x98: {  	s19 =	sld [smem:$0x3FDB];
	_ =	sdelay $0x1  }
0x99: {  	s4 =	simm.s32 $_scs_section_size  }
0x9a: {  	s5 =	simm.s32 $_size__tile_overlayer_lowered;
	s6 =	simm.s32 $_tile_overlayer_lowered  }
0x9b: {  	s22 =	simm.s32 $0x1BFF;
	s21 =	sshll.u32 s6, $0x1;
	s3 =	sadd.s32 s4, s19  }
0x9c: {  	s7 =	simm.s32 $0x0;
	s20 =	sshll.u32 s5, $0x1;
	s5 =	sadd.s32 s21, s3  }
0x9d: {  	[timem:s7], [sflag:s22] =	dma.local [hbm:s5], s20  }
0x9e: {  	_ =	swait.ge [sflag:s22], s20  }
0x9f: {  	s4 =	ssub.s32 $0x0, s20;
	[sflag:s22] =	ssyncset.done $0x0  }
0xa0: {  	[sflag:s22] =	ssyncadd.s32 s4;
	_ =	sdelay $0x1  }
0xa1: {  	s23 =	simm.s32 $0x1B8B  }
0xa2: {  	_ =	swait.ge [sflag:s23], $0x1  }
0xa3: {  	[sflag:s23] =	ssyncset.done $0x0  }
0xa4: {  	s25 =	simm.s32 $0x1B8E;
	s24 =	sld [smem:$0x3FFE];
	[sflag:s23] =	ssyncadd.s32 $0xFFFFFFFF  }
0xa5: {  	s26 =	simm.s32 $execute0_lowered;
	[smem:$0x3FD2] =	sst s25  }
0xa6: {  	s5 =	sshll.u32 s26, $0x1;
	_ =	strace $0x80000046;
	[dreg:$0x1] =	wrdreg $0xFFFFFFFF  }
0xa7: {  	s28 =	simm.s32 $_size_execute0_lowered;
	s3 =	sadd.s32 s3, s5;
	[dreg:$0x0] =	wrdreg $0x0  }
0xa8: {  	s5 =	sshll.u32 s28, $0x1;
	[dreg:$0x2] =	wrdreg s3  }
0xa9: {  	[dreg:$0x3] =	wrdreg s5  }
0xaa: {  	[dreg:$0x4] =	wrdreg $0xC0  }
0xab: {  	_ =	task [dreg:s7], $0x5FFFF  }
0xac: {  	[dreg:$0x1] =	wrdreg $0xFFFFFFFF  }
0xad: {  	[dreg:$0x0] =	wrdreg $0x60  }
0xae: {  	[dreg:$0x2] =	wrdreg s24  }
0xaf: {  	[dreg:$0x3] =	wrdreg s2  }
0xb0: {  	[dreg:$0x4] =	wrdreg $0x0  }
0xb1: {  	[dreg:$0x5] =	wrdreg $0x9  }
0xb2: {  	_ =	task.clear_ibuf [dreg:s7], $0x6FFFF;
	_ =	strace $0x90000046  }
0xb3: {  	s29 =	simm.s32 $0x9;
	_ =	strace $0x80000048  }
0xb4: {  	_ =	swait.ge [sflag:s29], $0x1  }
0xb5: {  	[sflag:s29] =	ssyncadd.s32 $0xFFFFFFFF  }
0xb6: {  	_ =	strace $0x90000048  }
0xb7: {  	_ =	sfence  }
0xb8: {  	s30 =	sld [smem:$0x0];
	_ =	sdelay $0x2  }
0xb9: {  	s31 =	sshll.u32 s1, $0xD;
	s1 =	sshrl.u32 s1, $0x2  }
0xba: {  	s3 =	sand.u32 $0x4000, s31;
	s1 =	sadd.s32 s1, s30  }
0xbb: {  	s0 =	sor.u32 s3, s0;
	s1 =	sshll.u32 s1, $0x11  }
0xbc: {  	s0 =	sor.u32 s1, s0  }
0xbd: {  	s0 =	sadd.s32 $0x8F2B, s0  }
0xbe: {  	[sflag:s0] =	ssyncadd.remote.s32 $0x1  }
0xbf: {  	_ =	sfence.sel $0xFFFF  }
0xc0: {  	[dreg:$0x0] =	wrdreg $0xFFFFFFFF;
	(pc) =	sbr.abs _section_cstart, $3  }
0xc1: {  	[dreg:$0x1] =	wrdreg $0xFFFFFFFF  }
0xc2: {  	_ =	task.clear_ibuf [dreg:s7], $0x2FFFF;
	_ =	strace $0x9FFFFFFF  }
0xc3: {  	(tm) =	ssettm $0x7FFFFFFF  }
tec
execute0_lowered:
.L_overlay_start_1:
0x0: {  	(tag) =	ssettag $0x1  }
0x1: {  	s5 =	rddreg [dreg:$0x0]  }
0x2: {  	s2 =	rddreg [dreg:$0x1]  }
0x3: {  	s3 =	rddreg [dreg:$0x2]  }
0x4: {  	s0 =	rddreg [dreg:$0x3]  }
0x5: {  	s1 =	stileid.u32;
	s6 =	srdreg.scid  }
0x6: {  	s4 =	simm.s32 $0x0;
	s13 =	simm.s32 $0x3;
	s14 =	simm.s32 $0x1  }
0x7: {  	s15 =	simm.s32 $0x2;
	s16 =	simm.s32 $0x50;
	s18 =	simm.s32 $0x0  }
0x8: {  	s7 =	smul.u32 $0x14000, s1;
	s6 =	sand.u32 $0x1, s6;
	[smem:$0x7FF] =	sst s4  }
0x9: {  	s9 =	sshll.u32 s1, $0xB;
	s11 =	smul.u32 $0x50000, s1;
	s17 =	sshll.u32 s1, $0x6  }
0xa: {  	s8 =	smul.u32 $0x140000, s6;
	_ =	strace $0x80000047;
	s26 =	sadd.s32 s9, s5  }
0xb: {  	s29 =	ssub.s32 $0x2, s6;
	s6 =	sshll.u32 s6, $0xF;
	s10 =	sshrl.u32 s7, $0x3  }
0xc: {  	s30 =	sshrl.u32 s29, $0x1;
	s6 =	sadd.s32 s6, s26;
	s31 =	sshrl.u32 s11, $0x2  }
0xd: {  	s7 =	sadd.s32 s7, s8;
	s28 =	sadd.s32 s10, s5;
	s10 =	ssub.s32 s29, s30  }
0xe: {  	s11 =	sadd.s32 s31, s3;
	s7 =	sshrl.u32 s7, $0x3;
	s9 =	smax.u32 s10, $0x1  }
0xf: {  	s10 =	simm.s32 $0x14000;
	s11 =	sshrl.u32 s11, $0x3;
	s12 =	sadd.s32 s7, s5  }
0x10: {  	s5 =	sadd.s32 $0x3400, s6;
	s6 =	sadd.s32 $0x13400, s28;
	s7 =	sor.u32 $0x1C02, s17  }
0x11: {  	s17 =	sor.u32 $0x1C03, s17;
	s8 =	sadd.s32 $0x3B400, s12;
	s12 =	simm.s32 $0x18000  }
.LBB2_1:
0x12: {  	[tilespmem:s10], [sflag:$0x1] =	stream.linear.gather [hbm4b:s5+s4], $0x3E80, $0x38;
	[tilespmem:$0x1A800] =	vst v63  }
0x13: {  	[spmem:s11], [sflag:s7] =	dma.local [hbm:s6], $0x2800  }
0x14: {  	[tilespmem:s12], [sflag:$0x3] =	stream.linear.gather [hbm4b:s2+s4], $0x2800, $0x38;
	[tilespmem:$0x1A800] =	vst v63  }
0x15: {  	_ =	swait.ge [sflag:s13], $0x2800  }
0x16: {  	[sflag:s13] =	ssyncset.done $0x0  }
0x17: {  	[sflag:s13] =	ssyncadd.s32 $0xFFFFD800  }
0x18: {  	_ =	swait.ge [sflag:s14], $0x3E80  }
0x19: {  	[sflag:s14] =	ssyncset.done $0x0  }
0x1a: {  	[sflag:s14] =	ssyncadd.s32 $0xFFFFC180  }
0x1b: {  	_ =	swait.ge [sflag:s15], $0x2800  }
0x1c: {  	[sflag:s15] =	ssyncset.done $0x0  }
0x1d: {  	[sflag:s15] =	ssyncadd.s32 $0xFFFFD800  }
0x1e: {  	[bflag:$0x0] =	sbarrier.arrive $0xFFFF  }
0x1f: {  	[spmem:s3] =	stream.indirect.scatter.add.f32 [tilespmem:s12], [sflag:$0x1], $0x80, s10, s16, $0xb8;
	[tilespmem:$0x1A800] =	vst v63  }
0x20: {  	s19 =	simm.s32 $0x14080  }
0x21: {  	[spmem:s3] =	stream.indirect.scatter.add.f32 [tilespmem:s12], [sflag:$0x2], $0x80, s19, s16, $0xb8;
	[tilespmem:$0x1A800] =	vst v63  }
0x22: {  	_ =	swait.ge [sflag:s14], $0x2800  }
0x23: {  	[sflag:s14] =	ssyncset.done $0x0  }
0x24: {  	s31 =	simm.s32 $0x14100;
	[sflag:s14] =	ssyncadd.s32 $0xFFFFD800  }
0x25: {  	[spmem:s3] =	stream.indirect.scatter.add.f32 [tilespmem:s12], [sflag:$0x1], $0x80, s31, s16, $0xb8;
	[tilespmem:$0x1A800] =	vst v63  }
0x26: {  	_ =	swait.ge [sflag:s15], $0x2800  }
0x27: {  	s20 =	simm.s32 $0xFFFF1000;
	s19 =	simm.s32 $0xFFFFC300;
	[sflag:s15] =	ssyncset.done $0x0  }
.LBB2_2:
0x28: {  	s21 =	sadd.s32 $0x17E80, s19  }
0x29: {  	[sflag:s15] =	ssyncadd.s32 $0xFFFFD800;
	s22 =	smov.u32 s20;
	s23 =	sadd.s32 $0x400, s20  }
0x2a: {  	[spmem:s3] =	stream.indirect.scatter.add.f32 [tilespmem:s12], [sflag:$0x2], $0x80, s21, s16, $0xb8;
	[tilespmem:$0x1A800] =	vst v63  }
0x2b: {  	p0 =	sne.s32 s20, $0xFFFFFC00;
	_ =	swait.ge [sflag:s14], $0x2800  }
.Ltmp0:
0x2c: {  	[sflag:s14] =	ssyncset.done $0x0;
	(pc) =	sbr.rel @p0 .LBB2_2-.Ltmp0, $4  }
0x2d: {  	s19 =	sadd.s32 $0x17F00, s19;
	[sflag:s14] =	ssyncadd.s32 $0xFFFFD800  }
0x2e: {  	[spmem:s3] =	stream.indirect.scatter.add.f32 [tilespmem:s12], [sflag:$0x1], $0x80, s19, s16, $0xb8;
	[tilespmem:$0x1A800] =	vst v63  }
0x2f: {  	_ =	swait.ge [sflag:s15], $0x2800  }
0x30: {  	s20 =	smov.u32 s23;
	s19 =	sshra.s32 s22, $0x2;
	[sflag:s15] =	ssyncset.done $0x0  }
0x31: {  	s20 =	sadd.s32 $0x17E80, s19;
	[sflag:s15] =	ssyncadd.s32 $0xFFFFD800  }
0x32: {  	[spmem:s3] =	stream.indirect.scatter.add.f32 [tilespmem:s12], [sflag:$0x2], $0x80, s20, s16, $0xb8;
	[tilespmem:$0x1A800] =	vst v63  }
0x33: {  	_ =	swait.ge [sflag:s14], $0x2800  }
0x34: {  	[sflag:s14] =	ssyncset.done $0x0  }
0x35: {  	s31 =	sadd.s32 $0x17F00, s19;
	[sflag:s14] =	ssyncadd.s32 $0xFFFFD800  }
0x36: {  	[spmem:s3] =	stream.indirect.scatter.add.f32 [tilespmem:s12], [sflag:$0x1], $0x80, s31, s16, $0xb8;
	[tilespmem:$0x1A800] =	vst v63  }
0x37: {  	_ =	swait.ge [sflag:s15], $0x2800  }
0x38: {  	[sflag:s15] =	ssyncset.done $0x0  }
0x39: {  	[sflag:s15] =	ssyncadd.s32 $0xFFFFD800  }
0x3a: {  	_ =	swait.ge [sflag:s14], $0x2800  }
0x3b: {  	s18 =	sadd.s32 $0x1, s18;
	[sflag:s14] =	ssyncset.done $0x0  }
0x3c: {  	p0 =	sne.s32 s18, s9;
	[sflag:s14] =	ssyncadd.s32 $0xFFFFD800  }
.Ltmp1:
0x3d: {  	[bflag:$0x0] =	sbarrier.arrive $0xFFFF;
	(pc) =	sbr.rel @p0 .LBB2_1-.Ltmp1, $4  }
0x3e: {  	[hbm:s8], [sflag:s17] =	dma.local [spmem:s11], $0x2800  }
0x3f: {  	_ =	swait.ge [sflag:s13], $0x2800  }
0x40: {  	[sflag:s13] =	ssyncset.done $0x0  }
0x41: {  	[sflag:s13] =	ssyncadd.s32 $0xFFFFD800  }
0x42: {  	_ =	sfence.sel $0x180000  }
0x43: {  	[bflag:$0x0] =	sbarrier.arrive $0xFFFF  }
0x44: {  	p0 =	sne.s32 s1, $0x0;
	_ =	strace $0x90000047  }
0x45: {  	s0 =	sadd.s32 @!p0 $0x100000, s0;
	[bflag:$0x2] =	sbarrier.arrive $0xFFFF  }
0x46: {  	[sflag:s0] =	ssyncadd.tile.s32 @!p0 $0x1;
	_ =	shalt  }
.Lfunc_end2:
_tile_overlayer_lowered:
.L_overlay_start_2:
0x47: {  	(tag) =	ssettag $0x2  }
0x48: {  	s0 =	rddreg [dreg:$0x0];
	s2 =	stileid.u32  }
0x49: {  	s1 =	rddreg [dreg:$0x1];
	p0 =	sne.s32 s2, $0x0  }
0x4a: {  	s3 =	rddreg [dreg:$0x2];
	[bflag:$0x3] =	sbarrier.arrive $0xFFFF;
	s2 =	simm.s32 @!p0 $0x1C03  }
0x4b: {  	[timem:s3], [sflag:s2] =	dma.local @!p0 [hbm:s0], s1  }
0x4c: {  	s0 =	simm.s32 @!p0 $0x3  }
0x4d: {  	_ =	swait.ge @!p0 [sflag:s0], s1  }
0x4e: {  	s1 =	ssub.s32 @!p0 $0x0, s1;
	[sflag:s0] =	ssyncset.done @!p0 $0x0  }
0x4f: {  	[sflag:s0] =	ssyncadd.s32 @!p0 s1  }
0x50: {  	[bflag:$0x3] =	sbarrier.arrive $0xFFFF  }
0x51: {  	_ =	shalt  }

// kernel: kernel.13.cloned.1.call-start
scs
__scs_entry_jumppad:
0x0: {  	(pc) =	sbr.rel $0x88, $3  }
0x1: {  	(tag) =	ssettag $0x0;
	lr =	simm.s32 $0x1  }
0x2: {  	[smem:$0x3F95] =	sst lr;
	_ =	strace $0xD0000000  }
0x3: {  	_ = 	snop  }
0x4: {  	_ = 	snop  }
0x5: {  	_ = 	snop  }
0x6: {  	_ = 	snop  }
0x7: {  	_ = 	snop  }
__scs_overlays_trampoline_lowered:
0x8: {  	[smem:$0x3FA4] =	sst s0  }
0x9: {  	[smem:$0x3FA5] =	sst s1  }
0xa: {  	[smem:$0x3FA6] =	sst s2  }
0xb: {  	[smem:$0x3FA7] =	sst s3  }
0xc: {  	[smem:$0x3FA8] =	sst s4  }
0xd: {  	[smem:$0x3FA9] =	sst s5  }
0xe: {  	[smem:$0x3FAA] =	sst s6  }
0xf: {  	[smem:$0x3FAB] =	sst s7  }
0x10: {  	[smem:$0x3FAC] =	sst s8  }
0x11: {  	[smem:$0x3FAD] =	sst s9;
	s0 =	simm.s32 @!p0 $0x0  }
0x12: {  	s1 =	sld [smem:$0x3F93];
	s0 =	simm.s32 @p0 $0x1  }
0x13: {  	[smem:$0x3FAE] =	sst s0;
	s0 =	simm.s32 @!p1 $0x0  }
0x14: {  	s2 =	sld [smem:$0x3F92];
	s0 =	simm.s32 @p1 $0x1  }
0x15: {  	[smem:$0x3FAF] =	sst s0;
	s0 =	simm.s32 @!p2 $0x0  }
0x16: {  	s3 =	sld [smem:$0x3FDB];
	s0 =	simm.s32 @p2 $0x1  }
0x17: {  	s4 =	simm.s32 $0x1BF5;
	[smem:$0x3FB1] =	sst s0  }
0x18: {  	s0 =	sld [smem:$0x3F94];
	_ =	swait.ge [sflag:s4], $0x0  }
0x19: {  	s7 =	sld [smem:$0x3F95]  }
0x1a: {  	s8 =	sadd.s32 $0xFFFFE003, lr  }
0x1b: {  	s9 =	sadd.s32 $0xFFFFFEF7, lr;
	s5 =	simm.s32 $0xFFFFFFFF;
	p2 =	slt.u32 s8, $0xFFFFF086  }
0x1c: {  	p1 =	slt.u32 s9, $0xF7A;
	s5 =	simm.s32 @!p2 $0x0  }
0x1d: {  	s5 =	simm.s32 @p1 $0x1;
	p0 =	seq.s32 s7, s2  }
0x1e: {  	s7 =	smul.u32 @!p0 $0xF7A, s2;
	p2 =	seq.s32 @!p0 s5, $0x0  }
0x1f: {  	s9 =	smul.u32 $0xF7A, s1;
	s8 =	simm.s32 @!p0 $0x1BF5;
	p2 =	por !p2, p0  }
0x20: {  	[sflag:s8] =	ssyncset.s32 @!p0 $0xFFFFF086;
	s6 =	sadd.s32 @!p0 s3, s7;
	s7 =	simm.s32 @!p0 $0x108  }
0x21: {  	s3 =	sadd.s32 s3, s9;
	s6 =	sadd.s32 @!p0 $0x88, s6;
	s7 =	simm.s32 @p2 $0x1082  }
0x22: {  	[simem:s7], [sflag:s8] =	dma.local @!p0 [hbm:s6], $0xF7A  }
0x23: {  	s9 =	sor.u32 $0xD0000000, s2;
	s6 =	simm.s32 $0x108;
	_ =	swait.ge @!p0 [sflag:s8], $0x0  }
0x24: {  	s3 =	sadd.s32 $0x88, s3;
	s6 =	simm.s32 @!p1 $0x1082;
	[sflag:s4] =	ssyncset.s32 $0xFFFFF086  }
0x25: {  	[simem:s6], [sflag:s4] =	dma.local [hbm:s3], $0xF7A  }
0x26: {  	[smem:$0x3F95] =	sst s1;
	(tag) =	ssettag s2;
	_ =	strace s9  }
0x27: {  	s1 =	sld [smem:$0x3FA5]  }
0x28: {  	s2 =	sld [smem:$0x3FA6]  }
0x29: {  	s4 =	sld [smem:$0x3FA8]  }
0x2a: {  	p0 =	seq.s32 s5, $0x0;
	s5 =	sld [smem:$0x3FA9]  }
0x2b: {  	s6 =	sld [smem:$0x3FAA]  }
0x2c: {  	s7 =	sld [smem:$0x3FAB]  }
0x2d: {  	s3 =	simm.s32 $0x108;
	s8 =	sld [smem:$0x3FAC]  }
0x2e: {  	s3 =	simm.s32 @!p0 $0x1082;
	s9 =	sld [smem:$0x3FAD]  }
0x2f: {  	lr =	sadd.s32 s0, s3;
	s0 =	sld [smem:$0x3FA4]  }
0x30: {  	s3 =	sld [smem:$0x3FA7]  }
0x31: {  	[smem:$0x3FB0] =	sst s10  }
0x32: {  	s10 =	sld [smem:$0x3FAE];
	_ =	sdelay $0x3  }
0x33: {  	p0 =	seq.s32 s10, $0x1;
	s10 =	sld [smem:$0x3FB0];
	_ =	sdelay $0x3  }
0x34: {  	[smem:$0x3FB0] =	sst s10  }
0x35: {  	s10 =	sld [smem:$0x3FAF];
	_ =	sdelay $0x3  }
0x36: {  	p1 =	seq.s32 s10, $0x1;
	s10 =	sld [smem:$0x3FB0];
	_ =	sdelay $0x3  }
0x37: {  	[smem:$0x3FB0] =	sst s10  }
0x38: {  	s10 =	sld [smem:$0x3FB1]  }
0x39: {  	_ = 	snop;
	(pc) =	sbr.ind lr, $3  }
0x3a: {  	_ = 	snop  }
0x3b: {  	_ = 	snop  }
0x3c: {  	p2 =	seq.s32 s10, $0x1;
	s10 =	sld [smem:$0x3FB0]  }
0x3d: {  	_ =	shalt  }
0x3e: {  	_ =	shalt  }
0x3f: {  	_ =	shalt  }
0x40: {  	_ =	shalt  }
0x41: {  	_ =	shalt  }
0x42: {  	_ =	shalt  }
0x43: {  	_ =	shalt  }
0x44: {  	_ =	shalt  }
0x45: {  	_ =	shalt  }
0x46: {  	_ =	shalt  }
0x47: {  	_ =	shalt  }
0x48: {  	_ =	shalt  }
0x49: {  	_ =	shalt  }
0x4a: {  	_ =	shalt  }
0x4b: {  	_ =	shalt  }
0x4c: {  	_ =	shalt  }
0x4d: {  	_ =	shalt  }
0x4e: {  	_ =	shalt  }
0x4f: {  	_ =	shalt  }
0x50: {  	_ =	shalt  }
0x51: {  	_ =	shalt  }
0x52: {  	_ =	shalt  }
0x53: {  	_ =	shalt  }
0x54: {  	_ =	shalt  }
0x55: {  	_ =	shalt  }
0x56: {  	_ =	shalt  }
0x57: {  	_ =	shalt  }
0x58: {  	_ =	shalt  }
0x59: {  	_ =	shalt  }
0x5a: {  	_ =	shalt  }
0x5b: {  	_ =	shalt  }
0x5c: {  	_ =	shalt  }
0x5d: {  	_ =	shalt  }
0x5e: {  	_ =	shalt  }
0x5f: {  	_ =	shalt  }
0x60: {  	_ =	shalt  }
0x61: {  	_ =	shalt  }
0x62: {  	_ =	shalt  }
0x63: {  	_ =	shalt  }
0x64: {  	_ =	shalt  }
0x65: {  	_ =	shalt  }
0x66: {  	_ =	shalt  }
0x67: {  	_ =	shalt  }
0x68: {  	_ =	shalt  }
0x69: {  	_ =	shalt  }
0x6a: {  	_ =	shalt  }
0x6b: {  	_ =	shalt  }
0x6c: {  	_ =	shalt  }
0x6d: {  	_ =	shalt  }
0x6e: {  	_ =	shalt  }
0x6f: {  	_ =	shalt  }
0x70: {  	_ =	shalt  }
0x71: {  	_ =	shalt  }
0x72: {  	_ =	shalt  }
0x73: {  	_ =	shalt  }
0x74: {  	_ =	shalt  }
0x75: {  	_ =	shalt  }
0x76: {  	_ =	shalt  }
0x77: {  	_ =	shalt  }
0x78: {  	_ =	shalt  }
0x79: {  	_ =	shalt  }
0x7a: {  	_ =	shalt  }
0x7b: {  	_ =	shalt  }
0x7c: {  	_ =	shalt  }
0x7d: {  	_ =	shalt  }
0x7e: {  	_ =	shalt  }
0x7f: {  	_ =	shalt  }
0x80: {  	_ =	shalt  }
0x81: {  	_ =	shalt  }
0x82: {  	_ =	shalt  }
0x83: {  	_ =	shalt  }
0x84: {  	_ =	shalt  }
0x85: {  	_ =	shalt  }
0x86: {  	_ =	shalt  }
0x87: {  	_ =	shalt  }
.Lfunc_end0:
.L_simem_size_0:
called_computation.1_lowered:
.L_overlay_start_0:
0x88: {  	s2 =	sld [smem:$0x3FD9]  }
0x89: {  	s3 =	sld [smem:$0x3FFE];
	_ =	sdelay $0x1  }
0x8a: {  	s1 =	srdreg.scid  }
0x8b: {  	s0 =	sand.u32 $0x1, s1  }
0x8c: {  	s17 =	sshll.u32 s0, $0xA;
	s2 =	sadd.s32 s3, s2  }
0x8d: {  	s2 =	sadd.s32 s2, s17  }
0x8e: {  	[smem:$0x3FBC] =	sst s2  }
0x8f: {  	_ = 	snop  }
0x90: {  	s2 =	sld [smem:$0x3FD0];
	(tm) =	ssettm $0x1  }
0x91: {  	s18 =	sld [smem:$0x3FFB];
	_ =	sdelay $0x3  }
0x92: {  	_ =	strace s18  }
0x93: {  	s3 =	sld [smem:$0x3FFC];
	_ =	sdelay $0x3  }
0x94: {  	_ =	strace s3  }
0x95: {  	s3 =	sld [smem:$0x3FFD];
	_ =	sdelay $0x3  }
0x96: {  	_ =	strace s3  }
0x97: {  	_ =	strace $0x8FFFFFFF  }
0x98: {  	s19 =	sld [smem:$0x3FDB];
	_ =	sdelay $0x1  }
0x99: {  	s4 =	simm.s32 $_scs_section_size  }
0x9a: {  	s5 =	simm.s32 $_size__tile_overlayer_lowered;
	s6 =	simm.s32 $_tile_overlayer_lowered  }
0x9b: {  	s22 =	simm.s32 $0x1BFF;
	s21 =	sshll.u32 s6, $0x1;
	s3 =	sadd.s32 s4, s19  }
0x9c: {  	s7 =	simm.s32 $0x0;
	s20 =	sshll.u32 s5, $0x1;
	s5 =	sadd.s32 s21, s3  }
0x9d: {  	[timem:s7], [sflag:s22] =	dma.local [hbm:s5], s20  }
0x9e: {  	_ =	swait.ge [sflag:s22], s20  }
0x9f: {  	s4 =	ssub.s32 $0x0, s20;
	[sflag:s22] =	ssyncset.done $0x0  }
0xa0: {  	[sflag:s22] =	ssyncadd.s32 s4;
	_ =	sdelay $0x1  }
0xa1: {  	s23 =	simm.s32 $0x1B8B  }
0xa2: {  	_ =	swait.ge [sflag:s23], $0x1  }
0xa3: {  	[sflag:s23] =	ssyncset.done $0x0  }
0xa4: {  	s25 =	simm.s32 $0x1B8E;
	s24 =	sld [smem:$0x3FFE];
	[sflag:s23] =	ssyncadd.s32 $0xFFFFFFFF  }
0xa5: {  	s26 =	simm.s32 $execute0_lowered;
	[smem:$0x3FD2] =	sst s25  }
0xa6: {  	s5 =	sshll.u32 s26, $0x1;
	_ =	strace $0x80000049;
	[dreg:$0x1] =	wrdreg $0xFFFFFFFF  }
0xa7: {  	s28 =	simm.s32 $_size_execute0_lowered;
	s3 =	sadd.s32 s3, s5;
	[dreg:$0x0] =	wrdreg $0x0  }
0xa8: {  	s5 =	sshll.u32 s28, $0x1;
	[dreg:$0x2] =	wrdreg s3  }
0xa9: {  	[dreg:$0x3] =	wrdreg s5  }
0xaa: {  	[dreg:$0x4] =	wrdreg $0xC0  }
0xab: {  	_ =	task [dreg:s7], $0x5FFFF  }
0xac: {  	[dreg:$0x1] =	wrdreg $0xFFFFFFFF  }
0xad: {  	[dreg:$0x0] =	wrdreg $0x60  }
0xae: {  	[dreg:$0x2] =	wrdreg s2  }
0xaf: {  	[dreg:$0x3] =	wrdreg s24  }
0xb0: {  	[dreg:$0x4] =	wrdreg $0x0  }
0xb1: {  	[dreg:$0x5] =	wrdreg $0x9  }
0xb2: {  	_ =	task.clear_ibuf [dreg:s7], $0x6FFFF;
	_ =	strace $0x90000049  }
0xb3: {  	s29 =	simm.s32 $0x9;
	_ =	strace $0x8000004B  }
0xb4: {  	_ =	swait.ge [sflag:s29], $0x1  }
0xb5: {  	[sflag:s29] =	ssyncadd.s32 $0xFFFFFFFF  }
0xb6: {  	_ =	strace $0x9000004B  }
0xb7: {  	_ =	sfence  }
0xb8: {  	s30 =	sld [smem:$0x0];
	_ =	sdelay $0x2  }
0xb9: {  	s31 =	sshll.u32 s1, $0xD;
	s1 =	sshrl.u32 s1, $0x2  }
0xba: {  	s3 =	sand.u32 $0x4000, s31;
	s1 =	sadd.s32 s1, s30  }
0xbb: {  	s0 =	sor.u32 s3, s0;
	s1 =	sshll.u32 s1, $0x11  }
0xbc: {  	s0 =	sor.u32 s1, s0  }
0xbd: {  	s0 =	sadd.s32 $0x8F2B, s0  }
0xbe: {  	[sflag:s0] =	ssyncadd.remote.s32 $0x1  }
0xbf: {  	_ =	sfence.sel $0xFFFF  }
0xc0: {  	[dreg:$0x0] =	wrdreg $0xFFFFFFFF;
	(pc) =	sbr.abs _section_cstart, $3  }
0xc1: {  	[dreg:$0x1] =	wrdreg $0xFFFFFFFF  }
0xc2: {  	_ =	task.clear_ibuf [dreg:s7], $0x2FFFF;
	_ =	strace $0x9FFFFFFF  }
0xc3: {  	(tm) =	ssettm $0x7FFFFFFF  }
tec
execute0_lowered:
.L_overlay_start_1:
0x0: {  	(tag) =	ssettag $0x1  }
0x1: {  	s1 =	rddreg [dreg:$0x0]  }
0x2: {  	s0 =	rddreg [dreg:$0x1]  }
0x3: {  	s3 =	rddreg [dreg:$0x2]  }
0x4: {  	s2 =	srdreg.scid;
	s4 =	simm.s32 $0x0;
	s12 =	stileid.u32  }
0x5: {  	s17 =	simm.s32 $0x14000;
	s19 =	simm.s32 $0x3;
	s20 =	simm.s32 $0x4  }
0x6: {  	s28 =	simm.s32 $0x1A900;
	s29 =	simm.s32 $0x1;
	s30 =	simm.s32 $0x5  }
0x7: {  	s31 =	simm.s32 $0x0;
	s2 =	sand.u32 $0x1, s2;
	s7 =	smul.u32 $0x14000, s12  }
0x8: {  	s6 =	sshll.u32 s12, $0xE;
	[smem:$0x7FF] =	sst s4;
	s21 =	smul.u32 $0x50000, s12  }
0x9: {  	s5 =	sshll.u32 s2, $0x12;
	s8 =	smul.u32 $0x140000, s2;
	_ =	strace $0x8000004A  }
0xa: {  	s2 =	ssub.s32 $0x2, s2;
	s5 =	sor.u32 s6, s5;
	s6 =	sadd.s32 $0x8B400, s0  }
0xb: {  	s11 =	sshrl.u32 s7, $0x3;
	s22 =	sshrl.u32 s2, $0x1;
	s24 =	sshrl.u32 s21, $0x2  }
0xc: {  	s21 =	simm.s32 $0x18000;
	s9 =	sshrl.u32 s5, $0x3;
	s7 =	sadd.s32 s7, s8  }
0xd: {  	s11 =	sadd.s32 s11, s0;
	s2 =	ssub.s32 s2, s22;
	s8 =	sshll.u32 s12, $0x6  }
0xe: {  	s22 =	simm.s32 $0x7;
	s10 =	sadd.s32 s9, s0;
	s7 =	sshrl.u32 s7, $0x3  }
0xf: {  	s9 =	sadd.s32 s6, s9;
	s25 =	sadd.s32 $0x13400, s11;
	s26 =	sor.u32 $0x1C04, s8  }
0x10: {  	s14 =	smax.u32 s2, $0x1;
	s0 =	sadd.s32 s7, s0;
	s23 =	sadd.s32 $0x3400, s10  }
.Ltmp0:
0x11: {  	s7 =	sadd.s32 s24, s3;
	[dreg:$0x5] =	wrdreg s25;
	(pc) =	sbr.rel .LBB2_1-.Ltmp0, $4  }
0x12: {  	[dreg:$0x6] =	wrdreg s26;
	s12 =	sadd.s32 $0x10, s9;
	s15 =	sadd.s32 $0x20, s9  }
0x13: {  	s16 =	sadd.s32 $0x30, s9;
	s24 =	simm.s32 $0x18100;
	s25 =	simm.s32 $0x18080  }
0x14: {  	s26 =	simm.s32 $0x2;
	[dreg:$0x4] =	wrdreg s23;
	s13 =	sadd.s32 $0x3B400, s0  }
0x15: {  	s18 =	sshrl.u32 s7, $0x3;
	s23 =	simm.s32 $0x50;
	s0 =	simm.s32 $0x6  }
.LBB2_4:
0x16: {  	_ =	swait.ge [sflag:s19], $0x2800  }
0x17: {  	[sflag:s19] =	ssyncset.done $0x0  }
0x18: {  	s2 =	simm.s32 $0x17E00;
	[sflag:s19] =	ssyncadd.s32 $0xFFFFD800  }
0x19: {  	[spmem:s3] =	stream.indirect.scatter.add.f32 [tilespmem:s24], [sflag:$0x7], $0x80, s2, s23, $0xb8;
	[tilespmem:$0x1D100] =	vst v63  }
0x1a: {  	_ =	swait.ge [sflag:s22], $0x2800  }
0x1b: {  	[sflag:s22] =	ssyncset.done $0x0  }
0x1c: {  	[sflag:s22] =	ssyncadd.s32 $0xFFFFD800  }
0x1d: {  	_ =	swait.ge [sflag:s0], $0x2800  }
0x1e: {  	s31 =	sadd.s32 $0x1, s31;
	[sflag:s0] =	ssyncset.done $0x0  }
0x1f: {  	p0 =	sne.s32 s31, s14;
	[sflag:s0] =	ssyncadd.s32 $0xFFFFD800  }
.Ltmp1:
0x20: {  	s11 =	sor.u32 $0x1C07, s8;
	[bflag:$0x0] =	sbarrier.arrive $0xFFFF;
	(pc) =	sbr.rel @!p0 .LBB2_5-.Ltmp1, $4  }
0x21: {  	[hbm:s13], [sflag:s11] =	dma.local [spmem:s18], $0x2800  }
0x22: {  	_ =	swait.ge [sflag:s22], $0x2800  }
0x23: {  	[sflag:s22] =	ssyncset.done $0x0  }
0x24: {  	[sflag:s22] =	ssyncadd.s32 $0xFFFFD800  }
.LBB2_1:
0x25: {  	s2 =	rddreg [dreg:$0x4]  }
0x26: {  	s10 =	rddreg [dreg:$0x5]  }
0x27: {  	s7 =	rddreg [dreg:$0x6]  }
0x28: {  	[tilespmem:s17], [sflag:$0x3] =	stream.linear.gather [hbm4b:s2+s4], $0x3E80, $0x38;
	[tilespmem:$0x1D100] =	vst v63  }
0x29: {  	[spmem:s18], [sflag:s7] =	dma.local [hbm:s10], $0x2800  }
0x2a: {  	_ =	swait.ge [sflag:s19], $0x3E80  }
0x2b: {  	[sflag:s19] =	ssyncset.done $0x0  }
0x2c: {  	[sflag:s19] =	ssyncadd.s32 $0xFFFFC180  }
0x2d: {  	_ =	swait.ge [sflag:s20], $0x2800  }
0x2e: {  	[sflag:s20] =	ssyncset.done $0x0  }
0x2f: {  	[sflag:s20] =	ssyncadd.s32 $0xFFFFD800  }
0x30: {  	[bflag:$0x0] =	sbarrier.arrive $0xFFFF  }
0x31: {  	[tilespmem:s21], [sflag:$0x7] =	stream.linear.gather [hbm4b:s9+s4], $0x80, $0x38;
	[tilespmem:$0x1D100] =	vst v63  }
0x32: {  	_ =	swait.ge [sflag:s22], $0x80  }
0x33: {  	[sflag:s22] =	ssyncset.done $0x0  }
0x34: {  	[sflag:s22] =	ssyncadd.s32 $0xFFFFFF80  }
0x35: {  	[tilespmem:s24], [sflag:$0x3] =	stream.indirect.gather [hbm4b:s1+s23], $0x80, s21, s23, $0xb8;
	[tilespmem:$0x1D100] =	vst v63  }
0x36: {  	_ = 	snop  }
0x37: {  	[tilespmem:s25], [sflag:$0x2] =	stream.linear.gather [hbm4b:s12+s4], $0x80, $0x38;
	[tilespmem:$0x1D100] =	vst v63  }
0x38: {  	_ =	swait.ge [sflag:s26], $0x80  }
0x39: {  	[sflag:s26] =	ssyncset.done $0x0  }
0x3a: {  	[sflag:s26] =	ssyncadd.s32 $0xFFFFFF80  }
0x3b: {  	[tilespmem:s28], [sflag:$0x4] =	stream.indirect.gather [hbm4b:s1+s23], $0x80, s25, s23, $0xb8;
	[tilespmem:$0x1D100] =	vst v63  }
0x3c: {  	_ =	swait.ge [sflag:s19], $0x2800  }
0x3d: {  	[sflag:s19] =	ssyncset.done $0x0  }
0x3e: {  	[sflag:s19] =	ssyncadd.s32 $0xFFFFD800  }
0x3f: {  	[spmem:s3] =	stream.indirect.scatter.add.f32 [tilespmem:s24], [sflag:$0x5], $0x80, s17, s23, $0xb8;
	[tilespmem:$0x1D100] =	vst v63  }
0x40: {  	_ = 	snop  }
0x41: {  	[tilespmem:s21], [sflag:$0x1] =	stream.linear.gather [hbm4b:s15+s4], $0x80, $0x38;
	[tilespmem:$0x1D100] =	vst v63  }
0x42: {  	_ =	swait.ge [sflag:s29], $0x80  }
0x43: {  	[sflag:s29] =	ssyncset.done $0x0  }
0x44: {  	[sflag:s29] =	ssyncadd.s32 $0xFFFFFF80  }
0x45: {  	_ =	swait.ge [sflag:s30], $0x2800  }
0x46: {  	[sflag:s30] =	ssyncset.done $0x0  }
0x47: {  	[sflag:s30] =	ssyncadd.s32 $0xFFFFD800  }
0x48: {  	[tilespmem:s24], [sflag:$0x3] =	stream.indirect.gather [hbm4b:s1+s23], $0x80, s21, s23, $0xb8;
	[tilespmem:$0x1D100] =	vst v63  }
0x49: {  	_ =	swait.ge [sflag:s20], $0x2800  }
0x4a: {  	[sflag:s20] =	ssyncset.done $0x0  }
0x4b: {  	s11 =	simm.s32 $0x14080;
	[sflag:s20] =	ssyncadd.s32 $0xFFFFD800  }
0x4c: {  	[spmem:s3] =	stream.indirect.scatter.add.f32 [tilespmem:s28], [sflag:$0x6], $0x80, s11, s23, $0xb8;
	[tilespmem:$0x1D100] =	vst v63  }
0x4d: {  	s2 =	simm.s32 $0x14180;
	s7 =	simm.s32 $0x280  }
0x4e: {  	[tilespmem:s25], [sflag:$0x2] =	stream.linear.gather [hbm4b:s16+s4], $0x80, $0x38;
	[tilespmem:$0x1D100] =	vst v63  }
.LBB2_2:
0x4f: {  	_ =	swait.ge [sflag:s26], $0x80  }
0x50: {  	[sflag:s26] =	ssyncset.done $0x0  }
0x51: {  	[sflag:s26] =	ssyncadd.s32 $0xFFFFFF80  }
0x52: {  	_ =	swait.ge [sflag:s0], $0x2800  }
0x53: {  	[sflag:s0] =	ssyncset.done $0x0  }
0x54: {  	[sflag:s0] =	ssyncadd.s32 $0xFFFFD800  }
0x55: {  	[tilespmem:s28], [sflag:$0x4] =	stream.indirect.gather [hbm4b:s1+s23], $0x80, s25, s23, $0xb8;
	[tilespmem:$0x1D100] =	vst v63  }
0x56: {  	_ =	swait.ge [sflag:s19], $0x2800  }
0x57: {  	[sflag:s19] =	ssyncset.done $0x0  }
0x58: {  	s10 =	sadd.s32 $0xFFFFFF80, s2;
	[sflag:s19] =	ssyncadd.s32 $0xFFFFD800  }
0x59: {  	[spmem:s3] =	stream.indirect.scatter.add.f32 [tilespmem:s24], [sflag:$0x5], $0x80, s10, s23, $0xb8;
	[tilespmem:$0x1D100] =	vst v63  }
0x5a: {  	s10 =	sadd.s32 $0xFFFFFF80, s7  }
0x5b: {  	s11 =	sand.u32 $0x7C00, s10  }
0x5c: {  	s10 =	sand.u32 $0x300, s10;
	s11 =	sadd.s32 s5, s11  }
0x5d: {  	s10 =	sor.u32 s10, s11  }
0x5e: {  	s10 =	sshrl.u32 s10, $0x3  }
0x5f: {  	s10 =	sadd.s32 s6, s10  }
0x60: {  	[tilespmem:s21], [sflag:$0x1] =	stream.linear.gather [hbm4b:s10+s4], $0x80, $0x38;
	[tilespmem:$0x1D100] =	vst v63  }
0x61: {  	_ =	swait.ge [sflag:s29], $0x80  }
0x62: {  	[sflag:s29] =	ssyncset.done $0x0  }
0x63: {  	[sflag:s29] =	ssyncadd.s32 $0xFFFFFF80  }
0x64: {  	_ =	swait.ge [sflag:s30], $0x2800  }
0x65: {  	[sflag:s30] =	ssyncset.done $0x0  }
0x66: {  	p0 =	seq.s32 s7, $0x3E80;
	[sflag:s30] =	ssyncadd.s32 $0xFFFFD800  }
0x67: {  	[tilespmem:s24], [sflag:$0x3] =	stream.indirect.gather [hbm4b:s1+s23], $0x80, s21, s23, $0xb8;
	[tilespmem:$0x1D100] =	vst v63  }
.Ltmp2:
0x68: {  	_ = 	snop;
	(pc) =	sbr.rel @p0 .LBB2_4-.Ltmp2, $4  }
0x69: {  	_ =	swait.ge [sflag:s20], $0x2800  }
0x6a: {  	[sflag:s20] =	ssyncset.done $0x0  }
0x6b: {  	[sflag:s20] =	ssyncadd.s32 $0xFFFFD800  }
0x6c: {  	[spmem:s3] =	stream.indirect.scatter.add.f32 [tilespmem:s28], [sflag:$0x6], $0x80, s2, s23, $0xb8;
	[tilespmem:$0x1D100] =	vst v63  }
0x6d: {  	s10 =	sand.u32 $0x7C00, s7  }
.Ltmp3:
0x6e: {  	s11 =	sand.u32 $0x380, s7;
	s10 =	sadd.s32 s5, s10;
	(pc) =	sbr.rel .LBB2_2-.Ltmp3, $4  }
0x6f: {  	s10 =	sor.u32 s11, s10  }
0x70: {  	s10 =	sshrl.u32 s10, $0x3  }
0x71: {  	s2 =	sadd.s32 $0x100, s2;
	s7 =	sadd.s32 $0x100, s7;
	s10 =	sadd.s32 s6, s10  }
0x72: {  	[tilespmem:s25], [sflag:$0x2] =	stream.linear.gather [hbm4b:s10+s4], $0x80, $0x38;
	[tilespmem:$0x1D100] =	vst v63  }
.LBB2_5:
0x73: {  	_ =	sfence.sel $0x180000  }
0x74: {  	[bflag:$0x0] =	sbarrier.arrive $0xFFFF  }
0x75: {  	_ =	strace $0x9000004A  }
0x76: {  	s0 =	stileid.u32;
	[bflag:$0x2] =	sbarrier.arrive $0xFFFF  }
0x77: {  	p0 =	sne.s32 s0, $0x0;
	s0 =	rddreg [dreg:$0x3]  }
0x78: {  	s0 =	sadd.s32 @!p0 $0x100000, s0  }
0x79: {  	[sflag:s0] =	ssyncadd.tile.s32 @!p0 $0x1;
	_ =	shalt  }
.Lfunc_end2:
_tile_overlayer_lowered:
.L_overlay_start_2:
0x7a: {  	(tag) =	ssettag $0x2  }
0x7b: {  	s0 =	rddreg [dreg:$0x0];
	s2 =	stileid.u32  }
0x7c: {  	s1 =	rddreg [dreg:$0x1];
	p0 =	sne.s32 s2, $0x0  }
0x7d: {  	s3 =	rddreg [dreg:$0x2];
	[bflag:$0x3] =	sbarrier.arrive $0xFFFF;
	s2 =	simm.s32 @!p0 $0x1C07  }
0x7e: {  	[timem:s3], [sflag:s2] =	dma.local @!p0 [hbm:s0], s1  }
0x7f: {  	s0 =	simm.s32 @!p0 $0x7  }
0x80: {  	_ =	swait.ge @!p0 [sflag:s0], s1  }
0x81: {  	s1 =	ssub.s32 @!p0 $0x0, s1;
	[sflag:s0] =	ssyncset.done @!p0 $0x0  }
0x82: {  	[sflag:s0] =	ssyncadd.s32 @!p0 s1  }
0x83: {  	[bflag:$0x3] =	sbarrier.arrive $0xFFFF  }
0x84: {  	_ =	shalt  }

// kernel: kernel.16.cloned.1.call-start
scs
__scs_entry_jumppad:
0x0: {  	(pc) =	sbr.rel $0x88, $3  }
0x1: {  	(tag) =	ssettag $0x0;
	lr =	simm.s32 $0x1  }
0x2: {  	[smem:$0x3F95] =	sst lr;
	_ =	strace $0xD0000000  }
0x3: {  	_ = 	snop  }
0x4: {  	_ = 	snop  }
0x5: {  	_ = 	snop  }
0x6: {  	_ = 	snop  }
0x7: {  	_ = 	snop  }
__scs_overlays_trampoline_lowered:
0x8: {  	[smem:$0x3FA4] =	sst s0  }
0x9: {  	[smem:$0x3FA5] =	sst s1  }
0xa: {  	[smem:$0x3FA6] =	sst s2  }
0xb: {  	[smem:$0x3FA7] =	sst s3  }
0xc: {  	[smem:$0x3FA8] =	sst s4  }
0xd: {  	[smem:$0x3FA9] =	sst s5  }
0xe: {  	[smem:$0x3FAA] =	sst s6  }
0xf: {  	[smem:$0x3FAB] =	sst s7  }
0x10: {  	[smem:$0x3FAC] =	sst s8  }
0x11: {  	[smem:$0x3FAD] =	sst s9;
	s0 =	simm.s32 @!p0 $0x0  }
0x12: {  	s1 =	sld [smem:$0x3F93];
	s0 =	simm.s32 @p0 $0x1  }
0x13: {  	[smem:$0x3FAE] =	sst s0;
	s0 =	simm.s32 @!p1 $0x0  }
0x14: {  	s2 =	sld [smem:$0x3F92];
	s0 =	simm.s32 @p1 $0x1  }
0x15: {  	[smem:$0x3FAF] =	sst s0;
	s0 =	simm.s32 @!p2 $0x0  }
0x16: {  	s3 =	sld [smem:$0x3FDB];
	s0 =	simm.s32 @p2 $0x1  }
0x17: {  	s4 =	simm.s32 $0x1BF5;
	[smem:$0x3FB1] =	sst s0  }
0x18: {  	s0 =	sld [smem:$0x3F94];
	_ =	swait.ge [sflag:s4], $0x0  }
0x19: {  	s7 =	sld [smem:$0x3F95]  }
0x1a: {  	s8 =	sadd.s32 $0xFFFFE003, lr  }
0x1b: {  	s9 =	sadd.s32 $0xFFFFFEF7, lr;
	s5 =	simm.s32 $0xFFFFFFFF;
	p2 =	slt.u32 s8, $0xFFFFF086  }
0x1c: {  	p1 =	slt.u32 s9, $0xF7A;
	s5 =	simm.s32 @!p2 $0x0  }
0x1d: {  	s5 =	simm.s32 @p1 $0x1;
	p0 =	seq.s32 s7, s2  }
0x1e: {  	s7 =	smul.u32 @!p0 $0xF7A, s2;
	p2 =	seq.s32 @!p0 s5, $0x0  }
0x1f: {  	s9 =	smul.u32 $0xF7A, s1;
	s8 =	simm.s32 @!p0 $0x1BF5;
	p2 =	por !p2, p0  }
0x20: {  	[sflag:s8] =	ssyncset.s32 @!p0 $0xFFFFF086;
	s6 =	sadd.s32 @!p0 s3, s7;
	s7 =	simm.s32 @!p0 $0x108  }
0x21: {  	s3 =	sadd.s32 s3, s9;
	s6 =	sadd.s32 @!p0 $0x88, s6;
	s7 =	simm.s32 @p2 $0x1082  }
0x22: {  	[simem:s7], [sflag:s8] =	dma.local @!p0 [hbm:s6], $0xF7A  }
0x23: {  	s9 =	sor.u32 $0xD0000000, s2;
	s6 =	simm.s32 $0x108;
	_ =	swait.ge @!p0 [sflag:s8], $0x0  }
0x24: {  	s3 =	sadd.s32 $0x88, s3;
	s6 =	simm.s32 @!p1 $0x1082;
	[sflag:s4] =	ssyncset.s32 $0xFFFFF086  }
0x25: {  	[simem:s6], [sflag:s4] =	dma.local [hbm:s3], $0xF7A  }
0x26: {  	[smem:$0x3F95] =	sst s1;
	(tag) =	ssettag s2;
	_ =	strace s9  }
0x27: {  	s1 =	sld [smem:$0x3FA5]  }
0x28: {  	s2 =	sld [smem:$0x3FA6]  }
0x29: {  	s4 =	sld [smem:$0x3FA8]  }
0x2a: {  	p0 =	seq.s32 s5, $0x0;
	s5 =	sld [smem:$0x3FA9]  }
0x2b: {  	s6 =	sld [smem:$0x3FAA]  }
0x2c: {  	s7 =	sld [smem:$0x3FAB]  }
0x2d: {  	s3 =	simm.s32 $0x108;
	s8 =	sld [smem:$0x3FAC]  }
0x2e: {  	s3 =	simm.s32 @!p0 $0x1082;
	s9 =	sld [smem:$0x3FAD]  }
0x2f: {  	lr =	sadd.s32 s0, s3;
	s0 =	sld [smem:$0x3FA4]  }
0x30: {  	s3 =	sld [smem:$0x3FA7]  }
0x31: {  	[smem:$0x3FB0] =	sst s10  }
0x32: {  	s10 =	sld [smem:$0x3FAE];
	_ =	sdelay $0x3  }
0x33: {  	p0 =	seq.s32 s10, $0x1;
	s10 =	sld [smem:$0x3FB0];
	_ =	sdelay $0x3  }
0x34: {  	[smem:$0x3FB0] =	sst s10  }
0x35: {  	s10 =	sld [smem:$0x3FAF];
	_ =	sdelay $0x3  }
0x36: {  	p1 =	seq.s32 s10, $0x1;
	s10 =	sld [smem:$0x3FB0];
	_ =	sdelay $0x3  }
0x37: {  	[smem:$0x3FB0] =	sst s10  }
0x38: {  	s10 =	sld [smem:$0x3FB1]  }
0x39: {  	_ = 	snop;
	(pc) =	sbr.ind lr, $3  }
0x3a: {  	_ = 	snop  }
0x3b: {  	_ = 	snop  }
0x3c: {  	p2 =	seq.s32 s10, $0x1;
	s10 =	sld [smem:$0x3FB0]  }
0x3d: {  	_ =	shalt  }
0x3e: {  	_ =	shalt  }
0x3f: {  	_ =	shalt  }
0x40: {  	_ =	shalt  }
0x41: {  	_ =	shalt  }
0x42: {  	_ =	shalt  }
0x43: {  	_ =	shalt  }
0x44: {  	_ =	shalt  }
0x45: {  	_ =	shalt  }
0x46: {  	_ =	shalt  }
0x47: {  	_ =	shalt  }
0x48: {  	_ =	shalt  }
0x49: {  	_ =	shalt  }
0x4a: {  	_ =	shalt  }
0x4b: {  	_ =	shalt  }
0x4c: {  	_ =	shalt  }
0x4d: {  	_ =	shalt  }
0x4e: {  	_ =	shalt  }
0x4f: {  	_ =	shalt  }
0x50: {  	_ =	shalt  }
0x51: {  	_ =	shalt  }
0x52: {  	_ =	shalt  }
0x53: {  	_ =	shalt  }
0x54: {  	_ =	shalt  }
0x55: {  	_ =	shalt  }
0x56: {  	_ =	shalt  }
0x57: {  	_ =	shalt  }
0x58: {  	_ =	shalt  }
0x59: {  	_ =	shalt  }
0x5a: {  	_ =	shalt  }
0x5b: {  	_ =	shalt  }
0x5c: {  	_ =	shalt  }
0x5d: {  	_ =	shalt  }
0x5e: {  	_ =	shalt  }
0x5f: {  	_ =	shalt  }
0x60: {  	_ =	shalt  }
0x61: {  	_ =	shalt  }
0x62: {  	_ =	shalt  }
0x63: {  	_ =	shalt  }
0x64: {  	_ =	shalt  }
0x65: {  	_ =	shalt  }
0x66: {  	_ =	shalt  }
0x67: {  	_ =	shalt  }
0x68: {  	_ =	shalt  }
0x69: {  	_ =	shalt  }
0x6a: {  	_ =	shalt  }
0x6b: {  	_ =	shalt  }
0x6c: {  	_ =	shalt  }
0x6d: {  	_ =	shalt  }
0x6e: {  	_ =	shalt  }
0x6f: {  	_ =	shalt  }
0x70: {  	_ =	shalt  }
0x71: {  	_ =	shalt  }
0x72: {  	_ =	shalt  }
0x73: {  	_ =	shalt  }
0x74: {  	_ =	shalt  }
0x75: {  	_ =	shalt  }
0x76: {  	_ =	shalt  }
0x77: {  	_ =	shalt  }
0x78: {  	_ =	shalt  }
0x79: {  	_ =	shalt  }
0x7a: {  	_ =	shalt  }
0x7b: {  	_ =	shalt  }
0x7c: {  	_ =	shalt  }
0x7d: {  	_ =	shalt  }
0x7e: {  	_ =	shalt  }
0x7f: {  	_ =	shalt  }
0x80: {  	_ =	shalt  }
0x81: {  	_ =	shalt  }
0x82: {  	_ =	shalt  }
0x83: {  	_ =	shalt  }
0x84: {  	_ =	shalt  }
0x85: {  	_ =	shalt  }
0x86: {  	_ =	shalt  }
0x87: {  	_ =	shalt  }
.Lfunc_end0:
.L_simem_size_0:
called_computation.2_lowered:
.L_overlay_start_0:
0x88: {  	s2 =	sld [smem:$0x3FD9]  }
0x89: {  	s3 =	sld [smem:$0x3FFE];
	_ =	sdelay $0x1  }
0x8a: {  	s1 =	srdreg.scid  }
0x8b: {  	s0 =	sand.u32 $0x1, s1  }
0x8c: {  	s17 =	sshll.u32 s0, $0xA;
	s2 =	sadd.s32 s3, s2  }
0x8d: {  	s2 =	sadd.s32 s2, s17  }
0x8e: {  	[smem:$0x3FBC] =	sst s2  }
0x8f: {  	_ = 	snop  }
0x90: {  	s2 =	sld [smem:$0x3FD0];
	(tm) =	ssettm $0x1  }
0x91: {  	s18 =	sld [smem:$0x3FFB];
	_ =	sdelay $0x3  }
0x92: {  	_ =	strace s18  }
0x93: {  	s3 =	sld [smem:$0x3FFC];
	_ =	sdelay $0x3  }
0x94: {  	_ =	strace s3  }
0x95: {  	s3 =	sld [smem:$0x3FFD];
	_ =	sdelay $0x3  }
0x96: {  	_ =	strace s3  }
0x97: {  	_ =	strace $0x8FFFFFFF  }
0x98: {  	s19 =	sld [smem:$0x3FDB];
	_ =	sdelay $0x1  }
0x99: {  	s4 =	simm.s32 $_scs_section_size  }
0x9a: {  	s5 =	simm.s32 $_size__tile_overlayer_lowered;
	s6 =	simm.s32 $_tile_overlayer_lowered  }
0x9b: {  	s22 =	simm.s32 $0x1BFF;
	s21 =	sshll.u32 s6, $0x1;
	s3 =	sadd.s32 s4, s19  }
0x9c: {  	s7 =	simm.s32 $0x0;
	s20 =	sshll.u32 s5, $0x1;
	s5 =	sadd.s32 s21, s3  }
0x9d: {  	[timem:s7], [sflag:s22] =	dma.local [hbm:s5], s20  }
0x9e: {  	_ =	swait.ge [sflag:s22], s20  }
0x9f: {  	s4 =	ssub.s32 $0x0, s20;
	[sflag:s22] =	ssyncset.done $0x0  }
0xa0: {  	[sflag:s22] =	ssyncadd.s32 s4;
	_ =	sdelay $0x1  }
0xa1: {  	s23 =	simm.s32 $0x1B8B  }
0xa2: {  	_ =	swait.ge [sflag:s23], $0x1  }
0xa3: {  	[sflag:s23] =	ssyncset.done $0x0  }
0xa4: {  	s25 =	simm.s32 $0x1B8E;
	s24 =	sld [smem:$0x3FFE];
	[sflag:s23] =	ssyncadd.s32 $0xFFFFFFFF  }
0xa5: {  	s26 =	simm.s32 $execute0_lowered;
	[smem:$0x3FD2] =	sst s25  }
0xa6: {  	s5 =	sshll.u32 s26, $0x1;
	_ =	strace $0x8000004C;
	[dreg:$0x1] =	wrdreg $0xFFFFFFFF  }
0xa7: {  	s28 =	simm.s32 $_size_execute0_lowered;
	s3 =	sadd.s32 s3, s5;
	[dreg:$0x0] =	wrdreg $0x0  }
0xa8: {  	s5 =	sshll.u32 s28, $0x1;
	[dreg:$0x2] =	wrdreg s3  }
0xa9: {  	[dreg:$0x3] =	wrdreg s5  }
0xaa: {  	[dreg:$0x4] =	wrdreg $0xC0  }
0xab: {  	_ =	task [dreg:s7], $0x5FFFF  }
0xac: {  	[dreg:$0x1] =	wrdreg $0xFFFFFFFF  }
0xad: {  	[dreg:$0x0] =	wrdreg $0x60  }
0xae: {  	[dreg:$0x2] =	wrdreg s2  }
0xaf: {  	[dreg:$0x3] =	wrdreg s24  }
0xb0: {  	[dreg:$0x4] =	wrdreg $0x0  }
0xb1: {  	[dreg:$0x5] =	wrdreg $0x9  }
0xb2: {  	_ =	task.clear_ibuf [dreg:s7], $0x6FFFF;
	_ =	strace $0x9000004C  }
0xb3: {  	s29 =	simm.s32 $0x9;
	_ =	strace $0x8000004E  }
0xb4: {  	_ =	swait.ge [sflag:s29], $0x1  }
0xb5: {  	[sflag:s29] =	ssyncadd.s32 $0xFFFFFFFF  }
0xb6: {  	_ =	strace $0x9000004E  }
0xb7: {  	_ =	sfence  }
0xb8: {  	s30 =	sld [smem:$0x0];
	_ =	sdelay $0x2  }
0xb9: {  	s31 =	sshll.u32 s1, $0xD;
	s1 =	sshrl.u32 s1, $0x2  }
0xba: {  	s3 =	sand.u32 $0x4000, s31;
	s1 =	sadd.s32 s1, s30  }
0xbb: {  	s0 =	sor.u32 s3, s0;
	s1 =	sshll.u32 s1, $0x11  }
0xbc: {  	s0 =	sor.u32 s1, s0  }
0xbd: {  	s0 =	sadd.s32 $0x8F2B, s0  }
0xbe: {  	[sflag:s0] =	ssyncadd.remote.s32 $0x1  }
0xbf: {  	_ =	sfence.sel $0xFFFF  }
0xc0: {  	[dreg:$0x0] =	wrdreg $0xFFFFFFFF;
	(pc) =	sbr.abs _section_cstart, $3  }
0xc1: {  	[dreg:$0x1] =	wrdreg $0xFFFFFFFF  }
0xc2: {  	_ =	task.clear_ibuf [dreg:s7], $0x2FFFF;
	_ =	strace $0x9FFFFFFF  }
0xc3: {  	(tm) =	ssettm $0x7FFFFFFF  }
tec
execute0_lowered:
.L_overlay_start_1:
0x0: {  	(tag) =	ssettag $0x1  }
0x1: {  	s1 =	rddreg [dreg:$0x0]  }
0x2: {  	s0 =	rddreg [dreg:$0x1]  }
0x3: {  	s3 =	rddreg [dreg:$0x2]  }
0x4: {  	s2 =	srdreg.scid;
	s4 =	simm.s32 $0x0;
	s12 =	stileid.u32  }
0x5: {  	s17 =	simm.s32 $0x14000;
	s19 =	simm.s32 $0x3;
	s20 =	simm.s32 $0x4  }
0x6: {  	s28 =	simm.s32 $0x1A900;
	s29 =	simm.s32 $0x1;
	s30 =	simm.s32 $0x5  }
0x7: {  	s31 =	simm.s32 $0x0;
	s2 =	sand.u32 $0x1, s2;
	s7 =	smul.u32 $0x14000, s12  }
0x8: {  	s6 =	sshll.u32 s12, $0xE;
	[smem:$0x7FF] =	sst s4;
	s21 =	smul.u32 $0x50000, s12  }
0x9: {  	s5 =	sshll.u32 s2, $0x12;
	s8 =	smul.u32 $0x140000, s2;
	_ =	strace $0x8000004D  }
0xa: {  	s2 =	ssub.s32 $0x2, s2;
	s5 =	sor.u32 s6, s5;
	s6 =	sadd.s32 $0x8B400, s0  }
0xb: {  	s11 =	sshrl.u32 s7, $0x3;
	s22 =	sshrl.u32 s2, $0x1;
	s24 =	sshrl.u32 s21, $0x2  }
0xc: {  	s21 =	simm.s32 $0x18000;
	s9 =	sshrl.u32 s5, $0x3;
	s7 =	sadd.s32 s7, s8  }
0xd: {  	s11 =	sadd.s32 s11, s0;
	s2 =	ssub.s32 s2, s22;
	s8 =	sshll.u32 s12, $0x6  }
0xe: {  	s22 =	simm.s32 $0x7;
	s10 =	sadd.s32 s9, s0;
	s7 =	sshrl.u32 s7, $0x3  }
0xf: {  	s9 =	sadd.s32 s6, s9;
	s25 =	sadd.s32 $0x13400, s11;
	s26 =	sor.u32 $0x1C04, s8  }
0x10: {  	s14 =	smax.u32 s2, $0x1;
	s0 =	sadd.s32 s7, s0;
	s23 =	sadd.s32 $0x3400, s10  }
.Ltmp0:
0x11: {  	s7 =	sadd.s32 s24, s3;
	[dreg:$0x5] =	wrdreg s25;
	(pc) =	sbr.rel .LBB2_1-.Ltmp0, $4  }
0x12: {  	[dreg:$0x6] =	wrdreg s26;
	s12 =	sadd.s32 $0x10, s9;
	s15 =	sadd.s32 $0x20, s9  }
0x13: {  	s16 =	sadd.s32 $0x30, s9;
	s24 =	simm.s32 $0x18100;
	s25 =	simm.s32 $0x18080  }
0x14: {  	s26 =	simm.s32 $0x2;
	[dreg:$0x4] =	wrdreg s23;
	s13 =	sadd.s32 $0x3B400, s0  }
0x15: {  	s18 =	sshrl.u32 s7, $0x3;
	s23 =	simm.s32 $0x50;
	s0 =	simm.s32 $0x6  }
.LBB2_4:
0x16: {  	_ =	swait.ge [sflag:s19], $0x2800  }
0x17: {  	[sflag:s19] =	ssyncset.done $0x0  }
0x18: {  	s2 =	simm.s32 $0x17E00;
	[sflag:s19] =	ssyncadd.s32 $0xFFFFD800  }
0x19: {  	[spmem:s3] =	stream.indirect.scatter.add.f32 [tilespmem:s24], [sflag:$0x7], $0x80, s2, s23, $0xb8;
	[tilespmem:$0x1D100] =	vst v63  }
0x1a: {  	_ =	swait.ge [sflag:s22], $0x2800  }
0x1b: {  	[sflag:s22] =	ssyncset.done $0x0  }
0x1c: {  	[sflag:s22] =	ssyncadd.s32 $0xFFFFD800  }
0x1d: {  	_ =	swait.ge [sflag:s0], $0x2800  }
0x1e: {  	s31 =	sadd.s32 $0x1, s31;
	[sflag:s0] =	ssyncset.done $0x0  }
0x1f: {  	p0 =	sne.s32 s31, s14;
	[sflag:s0] =	ssyncadd.s32 $0xFFFFD800  }
.Ltmp1:
0x20: {  	s11 =	sor.u32 $0x1C07, s8;
	[bflag:$0x0] =	sbarrier.arrive $0xFFFF;
	(pc) =	sbr.rel @!p0 .LBB2_5-.Ltmp1, $4  }
0x21: {  	[hbm:s13], [sflag:s11] =	dma.local [spmem:s18], $0x2800  }
0x22: {  	_ =	swait.ge [sflag:s22], $0x2800  }
0x23: {  	[sflag:s22] =	ssyncset.done $0x0  }
0x24: {  	[sflag:s22] =	ssyncadd.s32 $0xFFFFD800  }
.LBB2_1:
0x25: {  	s2 =	rddreg [dreg:$0x4]  }
0x26: {  	s10 =	rddreg [dreg:$0x5]  }
0x27: {  	s7 =	rddreg [dreg:$0x6]  }
0x28: {  	[tilespmem:s17], [sflag:$0x3] =	stream.linear.gather [hbm4b:s2+s4], $0x3E80, $0x38;
	[tilespmem:$0x1D100] =	vst v63  }
0x29: {  	[spmem:s18], [sflag:s7] =	dma.local [hbm:s10], $0x2800  }
0x2a: {  	_ =	swait.ge [sflag:s19], $0x3E80  }
0x2b: {  	[sflag:s19] =	ssyncset.done $0x0  }
0x2c: {  	[sflag:s19] =	ssyncadd.s32 $0xFFFFC180  }
0x2d: {  	_ =	swait.ge [sflag:s20], $0x2800  }
0x2e: {  	[sflag:s20] =	ssyncset.done $0x0  }
0x2f: {  	[sflag:s20] =	ssyncadd.s32 $0xFFFFD800  }
0x30: {  	[bflag:$0x0] =	sbarrier.arrive $0xFFFF  }
0x31: {  	[tilespmem:s21], [sflag:$0x7] =	stream.linear.gather [hbm4b:s9+s4], $0x80, $0x38;
	[tilespmem:$0x1D100] =	vst v63  }
0x32: {  	_ =	swait.ge [sflag:s22], $0x80  }
0x33: {  	[sflag:s22] =	ssyncset.done $0x0  }
0x34: {  	[sflag:s22] =	ssyncadd.s32 $0xFFFFFF80  }
0x35: {  	[tilespmem:s24], [sflag:$0x3] =	stream.indirect.gather [hbm4b:s1+s23], $0x80, s21, s23, $0xb8;
	[tilespmem:$0x1D100] =	vst v63  }
0x36: {  	_ = 	snop  }
0x37: {  	[tilespmem:s25], [sflag:$0x2] =	stream.linear.gather [hbm4b:s12+s4], $0x80, $0x38;
	[tilespmem:$0x1D100] =	vst v63  }
0x38: {  	_ =	swait.ge [sflag:s26], $0x80  }
0x39: {  	[sflag:s26] =	ssyncset.done $0x0  }
0x3a: {  	[sflag:s26] =	ssyncadd.s32 $0xFFFFFF80  }
0x3b: {  	[tilespmem:s28], [sflag:$0x4] =	stream.indirect.gather [hbm4b:s1+s23], $0x80, s25, s23, $0xb8;
	[tilespmem:$0x1D100] =	vst v63  }
0x3c: {  	_ =	swait.ge [sflag:s19], $0x2800  }
0x3d: {  	[sflag:s19] =	ssyncset.done $0x0  }
0x3e: {  	[sflag:s19] =	ssyncadd.s32 $0xFFFFD800  }
0x3f: {  	[spmem:s3] =	stream.indirect.scatter.add.f32 [tilespmem:s24], [sflag:$0x5], $0x80, s17, s23, $0xb8;
	[tilespmem:$0x1D100] =	vst v63  }
0x40: {  	_ = 	snop  }
0x41: {  	[tilespmem:s21], [sflag:$0x1] =	stream.linear.gather [hbm4b:s15+s4], $0x80, $0x38;
	[tilespmem:$0x1D100] =	vst v63  }
0x42: {  	_ =	swait.ge [sflag:s29], $0x80  }
0x43: {  	[sflag:s29] =	ssyncset.done $0x0  }
0x44: {  	[sflag:s29] =	ssyncadd.s32 $0xFFFFFF80  }
0x45: {  	_ =	swait.ge [sflag:s30], $0x2800  }
0x46: {  	[sflag:s30] =	ssyncset.done $0x0  }
0x47: {  	[sflag:s30] =	ssyncadd.s32 $0xFFFFD800  }
0x48: {  	[tilespmem:s24], [sflag:$0x3] =	stream.indirect.gather [hbm4b:s1+s23], $0x80, s21, s23, $0xb8;
	[tilespmem:$0x1D100] =	vst v63  }
0x49: {  	_ =	swait.ge [sflag:s20], $0x2800  }
0x4a: {  	[sflag:s20] =	ssyncset.done $0x0  }
0x4b: {  	s11 =	simm.s32 $0x14080;
	[sflag:s20] =	ssyncadd.s32 $0xFFFFD800  }
0x4c: {  	[spmem:s3] =	stream.indirect.scatter.add.f32 [tilespmem:s28], [sflag:$0x6], $0x80, s11, s23, $0xb8;
	[tilespmem:$0x1D100] =	vst v63  }
0x4d: {  	s2 =	simm.s32 $0x14180;
	s7 =	simm.s32 $0x280  }
0x4e: {  	[tilespmem:s25], [sflag:$0x2] =	stream.linear.gather [hbm4b:s16+s4], $0x80, $0x38;
	[tilespmem:$0x1D100] =	vst v63  }
.LBB2_2:
0x4f: {  	_ =	swait.ge [sflag:s26], $0x80  }
0x50: {  	[sflag:s26] =	ssyncset.done $0x0  }
0x51: {  	[sflag:s26] =	ssyncadd.s32 $0xFFFFFF80  }
0x52: {  	_ =	swait.ge [sflag:s0], $0x2800  }
0x53: {  	[sflag:s0] =	ssyncset.done $0x0  }
0x54: {  	[sflag:s0] =	ssyncadd.s32 $0xFFFFD800  }
0x55: {  	[tilespmem:s28], [sflag:$0x4] =	stream.indirect.gather [hbm4b:s1+s23], $0x80, s25, s23, $0xb8;
	[tilespmem:$0x1D100] =	vst v63  }
0x56: {  	_ =	swait.ge [sflag:s19], $0x2800  }
0x57: {  	[sflag:s19] =	ssyncset.done $0x0  }
0x58: {  	s10 =	sadd.s32 $0xFFFFFF80, s2;
	[sflag:s19] =	ssyncadd.s32 $0xFFFFD800  }
0x59: {  	[spmem:s3] =	stream.indirect.scatter.add.f32 [tilespmem:s24], [sflag:$0x5], $0x80, s10, s23, $0xb8;
	[tilespmem:$0x1D100] =	vst v63  }
0x5a: {  	s10 =	sadd.s32 $0xFFFFFF80, s7  }
0x5b: {  	s11 =	sand.u32 $0x7C00, s10  }
0x5c: {  	s10 =	sand.u32 $0x300, s10;
	s11 =	sadd.s32 s5, s11  }
0x5d: {  	s10 =	sor.u32 s10, s11  }
0x5e: {  	s10 =	sshrl.u32 s10, $0x3  }
0x5f: {  	s10 =	sadd.s32 s6, s10  }
0x60: {  	[tilespmem:s21], [sflag:$0x1] =	stream.linear.gather [hbm4b:s10+s4], $0x80, $0x38;
	[tilespmem:$0x1D100] =	vst v63  }
0x61: {  	_ =	swait.ge [sflag:s29], $0x80  }
0x62: {  	[sflag:s29] =	ssyncset.done $0x0  }
0x63: {  	[sflag:s29] =	ssyncadd.s32 $0xFFFFFF80  }
0x64: {  	_ =	swait.ge [sflag:s30], $0x2800  }
0x65: {  	[sflag:s30] =	ssyncset.done $0x0  }
0x66: {  	p0 =	seq.s32 s7, $0x3E80;
	[sflag:s30] =	ssyncadd.s32 $0xFFFFD800  }
0x67: {  	[tilespmem:s24], [sflag:$0x3] =	stream.indirect.gather [hbm4b:s1+s23], $0x80, s21, s23, $0xb8;
	[tilespmem:$0x1D100] =	vst v63  }
.Ltmp2:
0x68: {  	_ = 	snop;
	(pc) =	sbr.rel @p0 .LBB2_4-.Ltmp2, $4  }
0x69: {  	_ =	swait.ge [sflag:s20], $0x2800  }
0x6a: {  	[sflag:s20] =	ssyncset.done $0x0  }
0x6b: {  	[sflag:s20] =	ssyncadd.s32 $0xFFFFD800  }
0x6c: {  	[spmem:s3] =	stream.indirect.scatter.add.f32 [tilespmem:s28], [sflag:$0x6], $0x80, s2, s23, $0xb8;
	[tilespmem:$0x1D100] =	vst v63  }
0x6d: {  	s10 =	sand.u32 $0x7C00, s7  }
.Ltmp3:
0x6e: {  	s11 =	sand.u32 $0x380, s7;
	s10 =	sadd.s32 s5, s10;
	(pc) =	sbr.rel .LBB2_2-.Ltmp3, $4  }
0x6f: {  	s10 =	sor.u32 s11, s10  }
0x70: {  	s10 =	sshrl.u32 s10, $0x3  }
0x71: {  	s2 =	sadd.s32 $0x100, s2;
	s7 =	sadd.s32 $0x100, s7;
	s10 =	sadd.s32 s6, s10  }
0x72: {  	[tilespmem:s25], [sflag:$0x2] =	stream.linear.gather [hbm4b:s10+s4], $0x80, $0x38;
	[tilespmem:$0x1D100] =	vst v63  }
.LBB2_5:
0x73: {  	_ =	sfence.sel $0x180000  }
0x74: {  	[bflag:$0x0] =	sbarrier.arrive $0xFFFF  }
0x75: {  	_ =	strace $0x9000004D  }
0x76: {  	s0 =	stileid.u32;
	[bflag:$0x2] =	sbarrier.arrive $0xFFFF  }
0x77: {  	p0 =	sne.s32 s0, $0x0;
	s0 =	rddreg [dreg:$0x3]  }
0x78: {  	s0 =	sadd.s32 @!p0 $0x100000, s0  }
0x79: {  	[sflag:s0] =	ssyncadd.tile.s32 @!p0 $0x1;
	_ =	shalt  }
.Lfunc_end2:
_tile_overlayer_lowered:
.L_overlay_start_2:
0x7a: {  	(tag) =	ssettag $0x2  }
0x7b: {  	s0 =	rddreg [dreg:$0x0];
	s2 =	stileid.u32  }
0x7c: {  	s1 =	rddreg [dreg:$0x1];
	p0 =	sne.s32 s2, $0x0  }
0x7d: {  	s3 =	rddreg [dreg:$0x2];
	[bflag:$0x3] =	sbarrier.arrive $0xFFFF;
	s2 =	simm.s32 @!p0 $0x1C07  }
0x7e: {  	[timem:s3], [sflag:s2] =	dma.local @!p0 [hbm:s0], s1  }
0x7f: {  	s0 =	simm.s32 @!p0 $0x7  }
0x80: {  	_ =	swait.ge @!p0 [sflag:s0], s1  }
0x81: {  	s1 =	ssub.s32 @!p0 $0x0, s1;
	[sflag:s0] =	ssyncset.done @!p0 $0x0  }
0x82: {  	[sflag:s0] =	ssyncadd.s32 @!p0 s1  }
0x83: {  	[bflag:$0x3] =	sbarrier.arrive $0xFFFF  }
0x84: {  	_ =	shalt  }

// kernel: kernel.19.cloned.1.call-start
scs
__scs_entry_jumppad:
0x0: {  	(pc) =	sbr.rel $0x88, $3  }
0x1: {  	(tag) =	ssettag $0x0;
	lr =	simm.s32 $0x1  }
0x2: {  	[smem:$0x3F95] =	sst lr;
	_ =	strace $0xD0000000  }
0x3: {  	_ = 	snop  }
0x4: {  	_ = 	snop  }
0x5: {  	_ = 	snop  }
0x6: {  	_ = 	snop  }
0x7: {  	_ = 	snop  }
__scs_overlays_trampoline_lowered:
0x8: {  	[smem:$0x3FA4] =	sst s0  }
0x9: {  	[smem:$0x3FA5] =	sst s1  }
0xa: {  	[smem:$0x3FA6] =	sst s2  }
0xb: {  	[smem:$0x3FA7] =	sst s3  }
0xc: {  	[smem:$0x3FA8] =	sst s4  }
0xd: {  	[smem:$0x3FA9] =	sst s5  }
0xe: {  	[smem:$0x3FAA] =	sst s6  }
0xf: {  	[smem:$0x3FAB] =	sst s7  }
0x10: {  	[smem:$0x3FAC] =	sst s8  }
0x11: {  	[smem:$0x3FAD] =	sst s9;
	s0 =	simm.s32 @!p0 $0x0  }
0x12: {  	s1 =	sld [smem:$0x3F93];
	s0 =	simm.s32 @p0 $0x1  }
0x13: {  	[smem:$0x3FAE] =	sst s0;
	s0 =	simm.s32 @!p1 $0x0  }
0x14: {  	s2 =	sld [smem:$0x3F92];
	s0 =	simm.s32 @p1 $0x1  }
0x15: {  	[smem:$0x3FAF] =	sst s0;
	s0 =	simm.s32 @!p2 $0x0  }
0x16: {  	s3 =	sld [smem:$0x3FDB];
	s0 =	simm.s32 @p2 $0x1  }
0x17: {  	s4 =	simm.s32 $0x1BF5;
	[smem:$0x3FB1] =	sst s0  }
0x18: {  	s0 =	sld [smem:$0x3F94];
	_ =	swait.ge [sflag:s4], $0x0  }
0x19: {  	s7 =	sld [smem:$0x3F95]  }
0x1a: {  	s8 =	sadd.s32 $0xFFFFE003, lr  }
0x1b: {  	s9 =	sadd.s32 $0xFFFFFEF7, lr;
	s5 =	simm.s32 $0xFFFFFFFF;
	p2 =	slt.u32 s8, $0xFFFFF086  }
0x1c: {  	p1 =	slt.u32 s9, $0xF7A;
	s5 =	simm.s32 @!p2 $0x0  }
0x1d: {  	s5 =	simm.s32 @p1 $0x1;
	p0 =	seq.s32 s7, s2  }
0x1e: {  	s7 =	smul.u32 @!p0 $0xF7A, s2;
	p2 =	seq.s32 @!p0 s5, $0x0  }
0x1f: {  	s9 =	smul.u32 $0xF7A, s1;
	s8 =	simm.s32 @!p0 $0x1BF5;
	p2 =	por !p2, p0  }
0x20: {  	[sflag:s8] =	ssyncset.s32 @!p0 $0xFFFFF086;
	s6 =	sadd.s32 @!p0 s3, s7;
	s7 =	simm.s32 @!p0 $0x108  }
0x21: {  	s3 =	sadd.s32 s3, s9;
	s6 =	sadd.s32 @!p0 $0x88, s6;
	s7 =	simm.s32 @p2 $0x1082  }
0x22: {  	[simem:s7], [sflag:s8] =	dma.local @!p0 [hbm:s6], $0xF7A  }
0x23: {  	s9 =	sor.u32 $0xD0000000, s2;
	s6 =	simm.s32 $0x108;
	_ =	swait.ge @!p0 [sflag:s8], $0x0  }
0x24: {  	s3 =	sadd.s32 $0x88, s3;
	s6 =	simm.s32 @!p1 $0x1082;
	[sflag:s4] =	ssyncset.s32 $0xFFFFF086  }
0x25: {  	[simem:s6], [sflag:s4] =	dma.local [hbm:s3], $0xF7A  }
0x26: {  	[smem:$0x3F95] =	sst s1;
	(tag) =	ssettag s2;
	_ =	strace s9  }
0x27: {  	s1 =	sld [smem:$0x3FA5]  }
0x28: {  	s2 =	sld [smem:$0x3FA6]  }
0x29: {  	s4 =	sld [smem:$0x3FA8]  }
0x2a: {  	p0 =	seq.s32 s5, $0x0;
	s5 =	sld [smem:$0x3FA9]  }
0x2b: {  	s6 =	sld [smem:$0x3FAA]  }
0x2c: {  	s7 =	sld [smem:$0x3FAB]  }
0x2d: {  	s3 =	simm.s32 $0x108;
	s8 =	sld [smem:$0x3FAC]  }
0x2e: {  	s3 =	simm.s32 @!p0 $0x1082;
	s9 =	sld [smem:$0x3FAD]  }
0x2f: {  	lr =	sadd.s32 s0, s3;
	s0 =	sld [smem:$0x3FA4]  }
0x30: {  	s3 =	sld [smem:$0x3FA7]  }
0x31: {  	[smem:$0x3FB0] =	sst s10  }
0x32: {  	s10 =	sld [smem:$0x3FAE];
	_ =	sdelay $0x3  }
0x33: {  	p0 =	seq.s32 s10, $0x1;
	s10 =	sld [smem:$0x3FB0];
	_ =	sdelay $0x3  }
0x34: {  	[smem:$0x3FB0] =	sst s10  }
0x35: {  	s10 =	sld [smem:$0x3FAF];
	_ =	sdelay $0x3  }
0x36: {  	p1 =	seq.s32 s10, $0x1;
	s10 =	sld [smem:$0x3FB0];
	_ =	sdelay $0x3  }
0x37: {  	[smem:$0x3FB0] =	sst s10  }
0x38: {  	s10 =	sld [smem:$0x3FB1]  }
0x39: {  	_ = 	snop;
	(pc) =	sbr.ind lr, $3  }
0x3a: {  	_ = 	snop  }
0x3b: {  	_ = 	snop  }
0x3c: {  	p2 =	seq.s32 s10, $0x1;
	s10 =	sld [smem:$0x3FB0]  }
0x3d: {  	_ =	shalt  }
0x3e: {  	_ =	shalt  }
0x3f: {  	_ =	shalt  }
0x40: {  	_ =	shalt  }
0x41: {  	_ =	shalt  }
0x42: {  	_ =	shalt  }
0x43: {  	_ =	shalt  }
0x44: {  	_ =	shalt  }
0x45: {  	_ =	shalt  }
0x46: {  	_ =	shalt  }
0x47: {  	_ =	shalt  }
0x48: {  	_ =	shalt  }
0x49: {  	_ =	shalt  }
0x4a: {  	_ =	shalt  }
0x4b: {  	_ =	shalt  }
0x4c: {  	_ =	shalt  }
0x4d: {  	_ =	shalt  }
0x4e: {  	_ =	shalt  }
0x4f: {  	_ =	shalt  }
0x50: {  	_ =	shalt  }
0x51: {  	_ =	shalt  }
0x52: {  	_ =	shalt  }
0x53: {  	_ =	shalt  }
0x54: {  	_ =	shalt  }
0x55: {  	_ =	shalt  }
0x56: {  	_ =	shalt  }
0x57: {  	_ =	shalt  }
0x58: {  	_ =	shalt  }
0x59: {  	_ =	shalt  }
0x5a: {  	_ =	shalt  }
0x5b: {  	_ =	shalt  }
0x5c: {  	_ =	shalt  }
0x5d: {  	_ =	shalt  }
0x5e: {  	_ =	shalt  }
0x5f: {  	_ =	shalt  }
0x60: {  	_ =	shalt  }
0x61: {  	_ =	shalt  }
0x62: {  	_ =	shalt  }
0x63: {  	_ =	shalt  }
0x64: {  	_ =	shalt  }
0x65: {  	_ =	shalt  }
0x66: {  	_ =	shalt  }
0x67: {  	_ =	shalt  }
0x68: {  	_ =	shalt  }
0x69: {  	_ =	shalt  }
0x6a: {  	_ =	shalt  }
0x6b: {  	_ =	shalt  }
0x6c: {  	_ =	shalt  }
0x6d: {  	_ =	shalt  }
0x6e: {  	_ =	shalt  }
0x6f: {  	_ =	shalt  }
0x70: {  	_ =	shalt  }
0x71: {  	_ =	shalt  }
0x72: {  	_ =	shalt  }
0x73: {  	_ =	shalt  }
0x74: {  	_ =	shalt  }
0x75: {  	_ =	shalt  }
0x76: {  	_ =	shalt  }
0x77: {  	_ =	shalt  }
0x78: {  	_ =	shalt  }
0x79: {  	_ =	shalt  }
0x7a: {  	_ =	shalt  }
0x7b: {  	_ =	shalt  }
0x7c: {  	_ =	shalt  }
0x7d: {  	_ =	shalt  }
0x7e: {  	_ =	shalt  }
0x7f: {  	_ =	shalt  }
0x80: {  	_ =	shalt  }
0x81: {  	_ =	shalt  }
0x82: {  	_ =	shalt  }
0x83: {  	_ =	shalt  }
0x84: {  	_ =	shalt  }
0x85: {  	_ =	shalt  }
0x86: {  	_ =	shalt  }
0x87: {  	_ =	shalt  }
.Lfunc_end0:
.L_simem_size_0:
called_computation.3_lowered:
.L_overlay_start_0:
0x88: {  	s2 =	sld [smem:$0x3FD9]  }
0x89: {  	s3 =	sld [smem:$0x3FFE];
	_ =	sdelay $0x1  }
0x8a: {  	s1 =	srdreg.scid  }
0x8b: {  	s0 =	sand.u32 $0x1, s1  }
0x8c: {  	s17 =	sshll.u32 s0, $0xA;
	s2 =	sadd.s32 s3, s2  }
0x8d: {  	s2 =	sadd.s32 s2, s17  }
0x8e: {  	[smem:$0x3FBC] =	sst s2  }
0x8f: {  	_ = 	snop  }
0x90: {  	s2 =	sld [smem:$0x3FD0];
	(tm) =	ssettm $0x1  }
0x91: {  	s18 =	sld [smem:$0x3FFB];
	_ =	sdelay $0x3  }
0x92: {  	_ =	strace s18  }
0x93: {  	s3 =	sld [smem:$0x3FFC];
	_ =	sdelay $0x3  }
0x94: {  	_ =	strace s3  }
0x95: {  	s3 =	sld [smem:$0x3FFD];
	_ =	sdelay $0x3  }
0x96: {  	_ =	strace s3  }
0x97: {  	_ =	strace $0x8FFFFFFF  }
0x98: {  	s19 =	sld [smem:$0x3FDB];
	_ =	sdelay $0x1  }
0x99: {  	s4 =	simm.s32 $_scs_section_size  }
0x9a: {  	s5 =	simm.s32 $_size__tile_overlayer_lowered;
	s6 =	simm.s32 $_tile_overlayer_lowered  }
0x9b: {  	s22 =	simm.s32 $0x1BFF;
	s21 =	sshll.u32 s6, $0x1;
	s3 =	sadd.s32 s4, s19  }
0x9c: {  	s7 =	simm.s32 $0x0;
	s20 =	sshll.u32 s5, $0x1;
	s5 =	sadd.s32 s21, s3  }
0x9d: {  	[timem:s7], [sflag:s22] =	dma.local [hbm:s5], s20  }
0x9e: {  	_ =	swait.ge [sflag:s22], s20  }
0x9f: {  	s4 =	ssub.s32 $0x0, s20;
	[sflag:s22] =	ssyncset.done $0x0  }
0xa0: {  	[sflag:s22] =	ssyncadd.s32 s4;
	_ =	sdelay $0x1  }
0xa1: {  	s23 =	simm.s32 $0x1B8B  }
0xa2: {  	_ =	swait.ge [sflag:s23], $0x1  }
0xa3: {  	[sflag:s23] =	ssyncset.done $0x0  }
0xa4: {  	s25 =	simm.s32 $0x1B8E;
	s24 =	sld [smem:$0x3FFE];
	[sflag:s23] =	ssyncadd.s32 $0xFFFFFFFF  }
0xa5: {  	s26 =	simm.s32 $execute0_lowered;
	[smem:$0x3FD2] =	sst s25  }
0xa6: {  	s5 =	sshll.u32 s26, $0x1;
	_ =	strace $0x8000004F;
	[dreg:$0x1] =	wrdreg $0xFFFFFFFF  }
0xa7: {  	s28 =	simm.s32 $_size_execute0_lowered;
	s3 =	sadd.s32 s3, s5;
	[dreg:$0x0] =	wrdreg $0x0  }
0xa8: {  	s5 =	sshll.u32 s28, $0x1;
	[dreg:$0x2] =	wrdreg s3  }
0xa9: {  	[dreg:$0x3] =	wrdreg s5  }
0xaa: {  	[dreg:$0x4] =	wrdreg $0xC0  }
0xab: {  	_ =	task [dreg:s7], $0x5FFFF  }
0xac: {  	[dreg:$0x1] =	wrdreg $0xFFFFFFFF  }
0xad: {  	[dreg:$0x0] =	wrdreg $0x60  }
0xae: {  	[dreg:$0x2] =	wrdreg s2  }
0xaf: {  	[dreg:$0x3] =	wrdreg s24  }
0xb0: {  	[dreg:$0x4] =	wrdreg $0x0  }
0xb1: {  	[dreg:$0x5] =	wrdreg $0x9  }
0xb2: {  	_ =	task.clear_ibuf [dreg:s7], $0x6FFFF;
	_ =	strace $0x9000004F  }
0xb3: {  	s29 =	simm.s32 $0x9;
	_ =	strace $0x80000051  }
0xb4: {  	_ =	swait.ge [sflag:s29], $0x1  }
0xb5: {  	[sflag:s29] =	ssyncadd.s32 $0xFFFFFFFF  }
0xb6: {  	_ =	strace $0x90000051  }
0xb7: {  	_ =	sfence  }
0xb8: {  	s30 =	sld [smem:$0x0];
	_ =	sdelay $0x2  }
0xb9: {  	s31 =	sshll.u32 s1, $0xD;
	s1 =	sshrl.u32 s1, $0x2  }
0xba: {  	s3 =	sand.u32 $0x4000, s31;
	s1 =	sadd.s32 s1, s30  }
0xbb: {  	s0 =	sor.u32 s3, s0;
	s1 =	sshll.u32 s1, $0x11  }
0xbc: {  	s0 =	sor.u32 s1, s0  }
0xbd: {  	s0 =	sadd.s32 $0x8F2B, s0  }
0xbe: {  	[sflag:s0] =	ssyncadd.remote.s32 $0x1  }
0xbf: {  	_ =	sfence.sel $0xFFFF  }
0xc0: {  	[dreg:$0x0] =	wrdreg $0xFFFFFFFF;
	(pc) =	sbr.abs _section_cstart, $3  }
0xc1: {  	[dreg:$0x1] =	wrdreg $0xFFFFFFFF  }
0xc2: {  	_ =	task.clear_ibuf [dreg:s7], $0x2FFFF;
	_ =	strace $0x9FFFFFFF  }
0xc3: {  	(tm) =	ssettm $0x7FFFFFFF  }
tec
execute0_lowered:
.L_overlay_start_1:
0x0: {  	(tag) =	ssettag $0x1  }
0x1: {  	s1 =	rddreg [dreg:$0x0]  }
0x2: {  	s0 =	rddreg [dreg:$0x1]  }
0x3: {  	s3 =	rddreg [dreg:$0x2]  }
0x4: {  	s2 =	srdreg.scid;
	s4 =	simm.s32 $0x0;
	s12 =	stileid.u32  }
0x5: {  	s17 =	simm.s32 $0x14000;
	s19 =	simm.s32 $0x3;
	s20 =	simm.s32 $0x4  }
0x6: {  	s28 =	simm.s32 $0x1A900;
	s29 =	simm.s32 $0x1;
	s30 =	simm.s32 $0x5  }
0x7: {  	s31 =	simm.s32 $0x0;
	s2 =	sand.u32 $0x1, s2;
	s7 =	smul.u32 $0x14000, s12  }
0x8: {  	s6 =	sshll.u32 s12, $0xE;
	[smem:$0x7FF] =	sst s4;
	s21 =	smul.u32 $0x50000, s12  }
0x9: {  	s5 =	sshll.u32 s2, $0x12;
	s8 =	smul.u32 $0x140000, s2;
	_ =	strace $0x80000050  }
0xa: {  	s2 =	ssub.s32 $0x2, s2;
	s5 =	sor.u32 s6, s5;
	s6 =	sadd.s32 $0x8B400, s0  }
0xb: {  	s11 =	sshrl.u32 s7, $0x3;
	s22 =	sshrl.u32 s2, $0x1;
	s24 =	sshrl.u32 s21, $0x2  }
0xc: {  	s21 =	simm.s32 $0x18000;
	s9 =	sshrl.u32 s5, $0x3;
	s7 =	sadd.s32 s7, s8  }
0xd: {  	s11 =	sadd.s32 s11, s0;
	s2 =	ssub.s32 s2, s22;
	s8 =	sshll.u32 s12, $0x6  }
0xe: {  	s22 =	simm.s32 $0x7;
	s10 =	sadd.s32 s9, s0;
	s7 =	sshrl.u32 s7, $0x3  }
0xf: {  	s9 =	sadd.s32 s6, s9;
	s25 =	sadd.s32 $0x13400, s11;
	s26 =	sor.u32 $0x1C04, s8  }
0x10: {  	s14 =	smax.u32 s2, $0x1;
	s0 =	sadd.s32 s7, s0;
	s23 =	sadd.s32 $0x3400, s10  }
.Ltmp0:
0x11: {  	s7 =	sadd.s32 s24, s3;
	[dreg:$0x5] =	wrdreg s25;
	(pc) =	sbr.rel .LBB2_1-.Ltmp0, $4  }
0x12: {  	[dreg:$0x6] =	wrdreg s26;
	s12 =	sadd.s32 $0x10, s9;
	s15 =	sadd.s32 $0x20, s9  }
0x13: {  	s16 =	sadd.s32 $0x30, s9;
	s24 =	simm.s32 $0x18100;
	s25 =	simm.s32 $0x18080  }
0x14: {  	s26 =	simm.s32 $0x2;
	[dreg:$0x4] =	wrdreg s23;
	s13 =	sadd.s32 $0x3B400, s0  }
0x15: {  	s18 =	sshrl.u32 s7, $0x3;
	s23 =	simm.s32 $0x50;
	s0 =	simm.s32 $0x6  }
.LBB2_4:
0x16: {  	_ =	swait.ge [sflag:s19], $0x2800  }
0x17: {  	[sflag:s19] =	ssyncset.done $0x0  }
0x18: {  	s2 =	simm.s32 $0x17E00;
	[sflag:s19] =	ssyncadd.s32 $0xFFFFD800  }
0x19: {  	[spmem:s3] =	stream.indirect.scatter.add.f32 [tilespmem:s24], [sflag:$0x7], $0x80, s2, s23, $0xb8;
	[tilespmem:$0x1D100] =	vst v63  }
0x1a: {  	_ =	swait.ge [sflag:s22], $0x2800  }
0x1b: {  	[sflag:s22] =	ssyncset.done $0x0  }
0x1c: {  	[sflag:s22] =	ssyncadd.s32 $0xFFFFD800  }
0x1d: {  	_ =	swait.ge [sflag:s0], $0x2800  }
0x1e: {  	s31 =	sadd.s32 $0x1, s31;
	[sflag:s0] =	ssyncset.done $0x0  }
0x1f: {  	p0 =	sne.s32 s31, s14;
	[sflag:s0] =	ssyncadd.s32 $0xFFFFD800  }
.Ltmp1:
0x20: {  	s11 =	sor.u32 $0x1C07, s8;
	[bflag:$0x0] =	sbarrier.arrive $0xFFFF;
	(pc) =	sbr.rel @!p0 .LBB2_5-.Ltmp1, $4  }
0x21: {  	[hbm:s13], [sflag:s11] =	dma.local [spmem:s18], $0x2800  }
0x22: {  	_ =	swait.ge [sflag:s22], $0x2800  }
0x23: {  	[sflag:s22] =	ssyncset.done $0x0  }
0x24: {  	[sflag:s22] =	ssyncadd.s32 $0xFFFFD800  }
.LBB2_1:
0x25: {  	s2 =	rddreg [dreg:$0x4]  }
0x26: {  	s10 =	rddreg [dreg:$0x5]  }
0x27: {  	s7 =	rddreg [dreg:$0x6]  }
0x28: {  	[tilespmem:s17], [sflag:$0x3] =	stream.linear.gather [hbm4b:s2+s4], $0x3E80, $0x38;
	[tilespmem:$0x1D100] =	vst v63  }
0x29: {  	[spmem:s18], [sflag:s7] =	dma.local [hbm:s10], $0x2800  }
0x2a: {  	_ =	swait.ge [sflag:s19], $0x3E80  }
0x2b: {  	[sflag:s19] =	ssyncset.done $0x0  }
0x2c: {  	[sflag:s19] =	ssyncadd.s32 $0xFFFFC180  }
0x2d: {  	_ =	swait.ge [sflag:s20], $0x2800  }
0x2e: {  	[sflag:s20] =	ssyncset.done $0x0  }
0x2f: {  	[sflag:s20] =	ssyncadd.s32 $0xFFFFD800  }
0x30: {  	[bflag:$0x0] =	sbarrier.arrive $0xFFFF  }
0x31: {  	[tilespmem:s21], [sflag:$0x7] =	stream.linear.gather [hbm4b:s9+s4], $0x80, $0x38;
	[tilespmem:$0x1D100] =	vst v63  }
0x32: {  	_ =	swait.ge [sflag:s22], $0x80  }
0x33: {  	[sflag:s22] =	ssyncset.done $0x0  }
0x34: {  	[sflag:s22] =	ssyncadd.s32 $0xFFFFFF80  }
0x35: {  	[tilespmem:s24], [sflag:$0x3] =	stream.indirect.gather [hbm4b:s1+s23], $0x80, s21, s23, $0xb8;
	[tilespmem:$0x1D100] =	vst v63  }
0x36: {  	_ = 	snop  }
0x37: {  	[tilespmem:s25], [sflag:$0x2] =	stream.linear.gather [hbm4b:s12+s4], $0x80, $0x38;
	[tilespmem:$0x1D100] =	vst v63  }
0x38: {  	_ =	swait.ge [sflag:s26], $0x80  }
0x39: {  	[sflag:s26] =	ssyncset.done $0x0  }
0x3a: {  	[sflag:s26] =	ssyncadd.s32 $0xFFFFFF80  }
0x3b: {  	[tilespmem:s28], [sflag:$0x4] =	stream.indirect.gather [hbm4b:s1+s23], $0x80, s25, s23, $0xb8;
	[tilespmem:$0x1D100] =	vst v63  }
0x3c: {  	_ =	swait.ge [sflag:s19], $0x2800  }
0x3d: {  	[sflag:s19] =	ssyncset.done $0x0  }
0x3e: {  	[sflag:s19] =	ssyncadd.s32 $0xFFFFD800  }
0x3f: {  	[spmem:s3] =	stream.indirect.scatter.add.f32 [tilespmem:s24], [sflag:$0x5], $0x80, s17, s23, $0xb8;
	[tilespmem:$0x1D100] =	vst v63  }
0x40: {  	_ = 	snop  }
0x41: {  	[tilespmem:s21], [sflag:$0x1] =	stream.linear.gather [hbm4b:s15+s4], $0x80, $0x38;
	[tilespmem:$0x1D100] =	vst v63  }
0x42: {  	_ =	swait.ge [sflag:s29], $0x80  }
0x43: {  	[sflag:s29] =	ssyncset.done $0x0  }
0x44: {  	[sflag:s29] =	ssyncadd.s32 $0xFFFFFF80  }
0x45: {  	_ =	swait.ge [sflag:s30], $0x2800  }
0x46: {  	[sflag:s30] =	ssyncset.done $0x0  }
0x47: {  	[sflag:s30] =	ssyncadd.s32 $0xFFFFD800  }
0x48: {  	[tilespmem:s24], [sflag:$0x3] =	stream.indirect.gather [hbm4b:s1+s23], $0x80, s21, s23, $0xb8;
	[tilespmem:$0x1D100] =	vst v63  }
0x49: {  	_ =	swait.ge [sflag:s20], $0x2800  }
0x4a: {  	[sflag:s20] =	ssyncset.done $0x0  }
0x4b: {  	s11 =	simm.s32 $0x14080;
	[sflag:s20] =	ssyncadd.s32 $0xFFFFD800  }
0x4c: {  	[spmem:s3] =	stream.indirect.scatter.add.f32 [tilespmem:s28], [sflag:$0x6], $0x80, s11, s23, $0xb8;
	[tilespmem:$0x1D100] =	vst v63  }
0x4d: {  	s2 =	simm.s32 $0x14180;
	s7 =	simm.s32 $0x280  }
0x4e: {  	[tilespmem:s25], [sflag:$0x2] =	stream.linear.gather [hbm4b:s16+s4], $0x80, $0x38;
	[tilespmem:$0x1D100] =	vst v63  }
.LBB2_2:
0x4f: {  	_ =	swait.ge [sflag:s26], $0x80  }
0x50: {  	[sflag:s26] =	ssyncset.done $0x0  }
0x51: {  	[sflag:s26] =	ssyncadd.s32 $0xFFFFFF80  }
0x52: {  	_ =	swait.ge [sflag:s0], $0x2800  }
0x53: {  	[sflag:s0] =	ssyncset.done $0x0  }
0x54: {  	[sflag:s0] =	ssyncadd.s32 $0xFFFFD800  }
0x55: {  	[tilespmem:s28], [sflag:$0x4] =	stream.indirect.gather [hbm4b:s1+s23], $0x80, s25, s23, $0xb8;
	[tilespmem:$0x1D100] =	vst v63  }
0x56: {  	_ =	swait.ge [sflag:s19], $0x2800  }
0x57: {  	[sflag:s19] =	ssyncset.done $0x0  }
0x58: {  	s10 =	sadd.s32 $0xFFFFFF80, s2;
	[sflag:s19] =	ssyncadd.s32 $0xFFFFD800  }
0x59: {  	[spmem:s3] =	stream.indirect.scatter.add.f32 [tilespmem:s24], [sflag:$0x5], $0x80, s10, s23, $0xb8;
	[tilespmem:$0x1D100] =	vst v63  }
0x5a: {  	s10 =	sadd.s32 $0xFFFFFF80, s7  }
0x5b: {  	s11 =	sand.u32 $0x7C00, s10  }
0x5c: {  	s10 =	sand.u32 $0x300, s10;
	s11 =	sadd.s32 s5, s11  }
0x5d: {  	s10 =	sor.u32 s10, s11  }
0x5e: {  	s10 =	sshrl.u32 s10, $0x3  }
0x5f: {  	s10 =	sadd.s32 s6, s10  }
0x60: {  	[tilespmem:s21], [sflag:$0x1] =	stream.linear.gather [hbm4b:s10+s4], $0x80, $0x38;
	[tilespmem:$0x1D100] =	vst v63  }
0x61: {  	_ =	swait.ge [sflag:s29], $0x80  }
0x62: {  	[sflag:s29] =	ssyncset.done $0x0  }
0x63: {  	[sflag:s29] =	ssyncadd.s32 $0xFFFFFF80  }
0x64: {  	_ =	swait.ge [sflag:s30], $0x2800  }
0x65: {  	[sflag:s30] =	ssyncset.done $0x0  }
0x66: {  	p0 =	seq.s32 s7, $0x3E80;
	[sflag:s30] =	ssyncadd.s32 $0xFFFFD800  }
0x67: {  	[tilespmem:s24], [sflag:$0x3] =	stream.indirect.gather [hbm4b:s1+s23], $0x80, s21, s23, $0xb8;
	[tilespmem:$0x1D100] =	vst v63  }
.Ltmp2:
0x68: {  	_ = 	snop;
	(pc) =	sbr.rel @p0 .LBB2_4-.Ltmp2, $4  }
0x69: {  	_ =	swait.ge [sflag:s20], $0x2800  }
0x6a: {  	[sflag:s20] =	ssyncset.done $0x0  }
0x6b: {  	[sflag:s20] =	ssyncadd.s32 $0xFFFFD800  }
0x6c: {  	[spmem:s3] =	stream.indirect.scatter.add.f32 [tilespmem:s28], [sflag:$0x6], $0x80, s2, s23, $0xb8;
	[tilespmem:$0x1D100] =	vst v63  }
0x6d: {  	s10 =	sand.u32 $0x7C00, s7  }
.Ltmp3:
0x6e: {  	s11 =	sand.u32 $0x380, s7;
	s10 =	sadd.s32 s5, s10;
	(pc) =	sbr.rel .LBB2_2-.Ltmp3, $4  }
0x6f: {  	s10 =	sor.u32 s11, s10  }
0x70: {  	s10 =	sshrl.u32 s10, $0x3  }
0x71: {  	s2 =	sadd.s32 $0x100, s2;
	s7 =	sadd.s32 $0x100, s7;
	s10 =	sadd.s32 s6, s10  }
0x72: {  	[tilespmem:s25], [sflag:$0x2] =	stream.linear.gather [hbm4b:s10+s4], $0x80, $0x38;
	[tilespmem:$0x1D100] =	vst v63  }
.LBB2_5:
0x73: {  	_ =	sfence.sel $0x180000  }
0x74: {  	[bflag:$0x0] =	sbarrier.arrive $0xFFFF  }
0x75: {  	_ =	strace $0x90000050  }
0x76: {  	s0 =	stileid.u32;
	[bflag:$0x2] =	sbarrier.arrive $0xFFFF  }
0x77: {  	p0 =	sne.s32 s0, $0x0;
	s0 =	rddreg [dreg:$0x3]  }
0x78: {  	s0 =	sadd.s32 @!p0 $0x100000, s0  }
0x79: {  	[sflag:s0] =	ssyncadd.tile.s32 @!p0 $0x1;
	_ =	shalt  }
.Lfunc_end2:
_tile_overlayer_lowered:
.L_overlay_start_2:
0x7a: {  	(tag) =	ssettag $0x2  }
0x7b: {  	s0 =	rddreg [dreg:$0x0];
	s2 =	stileid.u32  }
0x7c: {  	s1 =	rddreg [dreg:$0x1];
	p0 =	sne.s32 s2, $0x0  }
0x7d: {  	s3 =	rddreg [dreg:$0x2];
	[bflag:$0x3] =	sbarrier.arrive $0xFFFF;
	s2 =	simm.s32 @!p0 $0x1C07  }
0x7e: {  	[timem:s3], [sflag:s2] =	dma.local @!p0 [hbm:s0], s1  }
0x7f: {  	s0 =	simm.s32 @!p0 $0x7  }
0x80: {  	_ =	swait.ge @!p0 [sflag:s0], s1  }
0x81: {  	s1 =	ssub.s32 @!p0 $0x0, s1;
	[sflag:s0] =	ssyncset.done @!p0 $0x0  }
0x82: {  	[sflag:s0] =	ssyncadd.s32 @!p0 s1  }
0x83: {  	[bflag:$0x3] =	sbarrier.arrive $0xFFFF  }
0x84: {  	_ =	shalt  }

</sc_bundles>
